<compile_context>
chip_gen: v7x
topology: tpu7x:2x2x1
jax: 0.10.2.dev20260603
libtpu: 0.0.44.dev20260713+nightly
codegen_flags: <defaults>
</compile_context>

<pallas_src>
import functools

import jax
import jax.numpy as jnp
from jax import lax
from jax.experimental import pallas as pl
from jax.experimental.pallas import tpu as pltpu
from jax.experimental.pallas import tpu_sc as plsc

NC = 2
NS = 16
CHUNK = 64
TRASH = 32
EBLK = 512


def _tc_y2_body(x_ref, w_ref, b_ref, out_ref):
    out_ref[...] = lax.dot_general(
        x_ref[...], w_ref[0],
        (((1,), (0,)), ((), ())),
        preferred_element_type=jnp.float32) + b_ref[0]


def _tc_edge_body(ea_ref, eam_ref, wi_ref, wd_ref, easel_ref):
    easel_ref[...] = (
        lax.dot_general(ea_ref[...], wi_ref[...],
                        (((1,), (0,)), ((), ())),
                        preferred_element_type=jnp.float32)
        + lax.dot_general(eam_ref[...], wd_ref[...],
                          (((1,), (0,)), ((), ())),
                          preferred_element_type=jnp.float32))


def _tc_node_body(fi_ref, fo_ref, wa_ref, wb_ref, b_ref, out_ref):
    acc = lax.dot_general(fi_ref[...], wa_ref[...],
                          (((1,), (0,)), ((), ())),
                          preferred_element_type=jnp.float32)
    acc += lax.dot_general(fo_ref[...], wb_ref[...],
                           (((1,), (0,)), ((), ())),
                           preferred_element_type=jnp.float32)
    out_ref[...] = jnp.maximum(acc + b_ref[...], 0.0)


def _sc_body(n_nodes, epad, d, y2_ref, ea_ref, row_ref, col_ref, out_ref,
             acc, rwb0, rwb1, clb0, clb1, igb0, igb1, irb0, irb1, eab0, eab1,
             yb0, yb1, sr0, sr1, sc0, sc1, se0, se1, sy0, sy1):
    c = lax.axis_index("c")
    s = lax.axis_index("s")
    nacc = n_nodes + TRASH
    zstride = (-(-nacc // NS) + 7) // 8 * 8
    zbase = jnp.minimum(s * zstride, nacc - zstride)
    wstride = (-(-n_nodes // NS) + 7) // 8 * 8
    wbase = jnp.minimum(s * wstride, n_nodes - wstride)
    edges_per_tile = epad // NS
    nsteps = edges_per_tile // CHUNK
    assert nsteps % 2 == 0
    nvec = d // 16

    rwb = (rwb0, rwb1)
    clb = (clb0, clb1)
    igb = (igb0, igb1)
    irb = (irb0, irb1)
    eab = (eab0, eab1)
    yb = (yb0, yb1)
    sr = (sr0, sr1)
    sc_ = (sc0, sc1)
    se = (se0, se1)
    sy = (sy0, sy1)

    ebase = s * edges_per_tile
    sdir = 2 * c - 1

    def issue_lin(t, p):
        pltpu.async_copy(row_ref.at[pl.ds(ebase + t * CHUNK, CHUNK)],
                         rwb[p], sr[p])
        pltpu.async_copy(col_ref.at[pl.ds(ebase + t * CHUNK, CHUNK)],
                         clb[p], sc_[p])
        pltpu.async_copy(ea_ref.at[pl.ds(ebase + t * CHUNK, CHUNK)],
                         eab[p], se[p])

    def gather_start(t, p):
        pltpu.make_async_copy(row_ref.at[pl.ds(ebase, CHUNK)], rwb[p],
                              sr[p]).wait()
        pltpu.make_async_copy(col_ref.at[pl.ds(ebase, CHUNK)], clb[p],
                              sc_[p]).wait()
        tro = t * CHUNK
        for k in range(CHUNK // 16):
            sl = pl.ds(k * 16, 16)
            r = rwb[p][sl]
            cc = clb[p][sl]
            m_out = cc > r
            igb[p][sl] = jnp.where(m_out, cc + n_nodes, cc)
            live = (cc - r) * sdir > 0
            trash = n_nodes + ((tro + k * 16 +
                                lax.iota(jnp.int32, 16)) & (TRASH - 1))
            irb[p][sl] = jnp.where(live, r, trash)
        pltpu.async_copy(y2_ref.at[igb[p]], yb[p], sy[p])

    def compute(p):
        pltpu.make_async_copy(ea_ref.at[pl.ds(ebase, CHUNK)], eab[p],
                              se[p]).wait()
        pltpu.make_async_copy(y2_ref.at[igb[p]], yb[p], sy[p]).wait()

        def crow(r, carry):
            for k in range(nvec):
                sl = pl.ds(k * 16, 16)
                eab[p][r, sl] = jnp.maximum(eab[p][r, sl] + yb[p][r, sl],
                                            0.0)
            return carry
        lax.fori_loop(0, CHUNK, crow, 0)

    def scat(p):
        pltpu.sync_copy(eab[p], acc.at[irb[p]], add=True)

    def zrow(r, carry):
        for k in range(nvec):
            eab0[r, pl.ds(k * 16, 16)] = jnp.zeros((16,), jnp.float32)
        return carry
    lax.fori_loop(0, CHUNK, zrow, 0)
    full, rem = divmod(zstride, CHUNK)
    for j in range(full):
        pltpu.sync_copy(eab0, acc.at[pl.ds(zbase + j * CHUNK, CHUNK)])
    if rem:
        pltpu.sync_copy(eab0.at[pl.ds(0, rem)],
                        acc.at[pl.ds(zbase + full * CHUNK, rem)])
    plsc.subcore_barrier()

    issue_lin(0, 0)
    gather_start(0, 0)

    def pair(tt, carry):
        t0 = 2 * tt
        issue_lin(t0 + 1, 1)
        compute(0)
        gather_start(t0 + 1, 1)
        scat(0)

        @pl.when(t0 + 2 < nsteps)
        def _():
            issue_lin(t0 + 2, 0)
        compute(1)

        @pl.when(t0 + 2 < nsteps)
        def _():
            gather_start(t0 + 2, 0)
        scat(1)
        return carry
    lax.fori_loop(0, nsteps // 2, pair, 0)

    plsc.subcore_barrier()
    pltpu.sync_copy(acc.at[pl.ds(wbase, wstride)],
                    out_ref.at[pl.ds(c * n_nodes + wbase, wstride)])


def kernel(x, edge_index, edge_attr, W_in, b_in, W_out, b_out, W_node,
           b_node):
    n, d = x.shape
    e = edge_index.shape[1]
    de = edge_attr.shape[1]
    gran = NS * CHUNK * 2
    assert gran % EBLK == 0 and e % EBLK == 0
    epad = ((e + gran - 1) // gran) * gran
    neblk = epad // EBLK
    nfull = e // EBLK

    padv = jnp.arange(epad - e, dtype=jnp.int32) % n
    rowp = jnp.concatenate([edge_index[0], padv])
    colp = jnp.concatenate([edge_index[1], padv])
    eam = edge_attr * (edge_index[1] > edge_index[0]
                       ).astype(jnp.float32)[:, None]

    wx = jnp.stack([W_in[:d], W_out[:d]])
    b2 = jnp.stack([b_in, b_out]).reshape(2, 1, d)
    nblk_y = 10
    rows_y = n // nblk_y
    y2 = pl.pallas_call(
        _tc_y2_body,
        grid=(2, nblk_y),
        in_specs=[
            pl.BlockSpec((rows_y, d), lambda dd, i: (i, 0)),
            pl.BlockSpec((1, d, d), lambda dd, i: (dd, 0, 0)),
            pl.BlockSpec((1, 1, d), lambda dd, i: (dd, 0, 0)),
        ],
        out_specs=pl.BlockSpec((rows_y, d),
                               lambda dd, i: (dd * nblk_y + i, 0)),
        out_shape=jax.ShapeDtypeStruct((2 * n, d), jnp.float32),
    )(x, wx, b2)

    ea_sel = pl.pallas_call(
        _tc_edge_body,
        grid=(neblk,),
        in_specs=[
            pl.BlockSpec((EBLK, de),
                         lambda i: (jnp.minimum(i, nfull - 1), 0)),
            pl.BlockSpec((EBLK, de),
                         lambda i: (jnp.minimum(i, nfull - 1), 0)),
            pl.BlockSpec((de, d), lambda i: (0, 0)),
            pl.BlockSpec((de, d), lambda i: (0, 0)),
        ],
        out_specs=pl.BlockSpec((EBLK, d), lambda i: (i, 0)),
        out_shape=jax.ShapeDtypeStruct((epad, d), jnp.float32),
    )(edge_attr, eam, W_in[d:], W_out[d:] - W_in[d:])

    mesh = plsc.VectorSubcoreMesh(core_axis_name="c", subcore_axis_name="s",
                                  num_cores=NC, num_subcores=NS)
    flow = pl.kernel(
        functools.partial(_sc_body, n, epad, d),
        out_type=jax.ShapeDtypeStruct((2 * n, d), jnp.float32),
        mesh=mesh,
        scratch_types=(
            [pltpu.MemorySpace.VMEM_SHARED((n + TRASH, d), jnp.float32)]
            + [pltpu.VMEM((CHUNK,), jnp.int32)] * 8
            + [pltpu.VMEM((CHUNK, d), jnp.float32)] * 4
            + [pltpu.SemaphoreType.DMA] * 8
        ),
    )(y2, ea_sel, rowp, colp)

    nblk = 10
    rows_n = n // nblk
    out = pl.pallas_call(
        _tc_node_body,
        grid=(nblk,),
        in_specs=[
            pl.BlockSpec((rows_n, d), lambda i: (i, 0)),
            pl.BlockSpec((rows_n, d), lambda i: (nblk + i, 0)),
            pl.BlockSpec((d, d), lambda i: (0, 0)),
            pl.BlockSpec((d, d), lambda i: (1, 0)),
            pl.BlockSpec((1, d), lambda i: (0, 0)),
        ],
        out_specs=pl.BlockSpec((rows_n, d), lambda i: (i, 0)),
        out_shape=jax.ShapeDtypeStruct((n, d), jnp.float32),
    )(flow, flow, W_node, W_node, b_node.reshape(1, d))
    return out

# --- scband reference (transcript-rebuilt; emitter-appended) ---
"""Pipeline reference for scband-node-model-42047729828006 (READ-ONLY COPY).

The authoritative reference and input builder live on the scoring server;
editing this copy changes nothing except your own understanding.
"""

import jax, jax.numpy as jnp
import numpy as np

N, E, D, DE = 10000, 320000, 128, 16

def setup_inputs(seed: int = 0) -> dict:
    key = jax.random.key(seed)
    ks = jax.random.split(key, 9)
    x = jax.random.normal(ks[0], (N, D), dtype=jnp.float32)
    edge_index = jax.random.randint(ks[1], (2, E), 0, N, dtype=jnp.int32)
    edge_attr = jax.random.normal(ks[2], (E, DE), dtype=jnp.float32)
    W_in = jax.random.normal(ks[3], (D + DE, D), dtype=jnp.float32) * 0.05
    b_in = jnp.zeros((D,), dtype=jnp.float32)
    W_out = jax.random.normal(ks[4], (D + DE, D), dtype=jnp.float32) * 0.05
    b_out = jnp.zeros((D,), dtype=jnp.float32)
    W_node = jax.random.normal(ks[5], (2 * D, D), dtype=jnp.float32) * 0.05
    b_node = jnp.zeros((D,), dtype=jnp.float32)
    return {"x": x, "edge_index": edge_index, "edge_attr": edge_attr,
            "W_in": W_in, "b_in": b_in, "W_out": W_out, "b_out": b_out,
            "W_node": W_node, "b_node": b_node}

def reference(x, edge_index, edge_attr, W_in, b_in, W_out, b_out, W_node, b_node):
    n_nodes = x.shape[0]
    row = edge_index[0]
    col = edge_index[1]
    edge_input = jnp.concatenate([x[col], edge_attr], axis=1)
    # flow out: edges where src < dst
    out_mask = (row < col).astype(x.dtype)[:, None]
    flow_out = jax.nn.relu(edge_input @ W_out + b_out) * out_mask
    flow_out = jax.ops.segment_sum(flow_out, row, num_segments=n_nodes)
    # flow in: edges where src > dst
    in_mask = (row > col).astype(x.dtype)[:, None]
    flow_in = jax.nn.relu(edge_input @ W_in + b_in) * in_mask
    flow_in = jax.ops.segment_sum(flow_in, row, num_segments=n_nodes)
    flow = jnp.concatenate([flow_in, flow_out], axis=1)
    return jax.nn.relu(flow @ W_node + b_node)

if __name__ == "__main__":
    import jax
    _d = setup_inputs()
    print(jax.jit(kernel)(*tuple(_d.values())))

</pallas_src>

<mosaic_0001>
#map = affine_map<(d0, d1) -> (0, 0)>
#map1 = affine_map<(d0, d1) -> (0)>
module attributes {stable_mosaic.version = 14 : i64} {
  func.func @_sc_body(%arg0: i32, %arg1: i32, %arg2: memref<20000x128xf32, #tpu.memory_space<hbm>>, %arg3: memref<321536x128xf32, #tpu.memory_space<hbm>>, %arg4: memref<321536xi32, #tpu.memory_space<hbm>>, %arg5: memref<321536xi32, #tpu.memory_space<hbm>>, %arg6: memref<20000x128xf32, #tpu.memory_space<hbm>>, %arg7: memref<10032x128xf32, #tpu.memory_space<vmem_shared>>, %arg8: memref<64xi32, #tpu.memory_space<vmem>>, %arg9: memref<64xi32, #tpu.memory_space<vmem>>, %arg10: memref<64xi32, #tpu.memory_space<vmem>>, %arg11: memref<64xi32, #tpu.memory_space<vmem>>, %arg12: memref<64xi32, #tpu.memory_space<vmem>>, %arg13: memref<64xi32, #tpu.memory_space<vmem>>, %arg14: memref<64xi32, #tpu.memory_space<vmem>>, %arg15: memref<64xi32, #tpu.memory_space<vmem>>, %arg16: memref<64x128xf32, #tpu.memory_space<vmem>>, %arg17: memref<64x128xf32, #tpu.memory_space<vmem>>, %arg18: memref<64x128xf32, #tpu.memory_space<vmem>>, %arg19: memref<64x128xf32, #tpu.memory_space<vmem>>, %arg20: memref<!tpu.dma_semaphore, #tpu.memory_space<semaphore_mem>>, %arg21: memref<!tpu.dma_semaphore, #tpu.memory_space<semaphore_mem>>, %arg22: memref<!tpu.dma_semaphore, #tpu.memory_space<semaphore_mem>>, %arg23: memref<!tpu.dma_semaphore, #tpu.memory_space<semaphore_mem>>, %arg24: memref<!tpu.dma_semaphore, #tpu.memory_space<semaphore_mem>>, %arg25: memref<!tpu.dma_semaphore, #tpu.memory_space<semaphore_mem>>, %arg26: memref<!tpu.dma_semaphore, #tpu.memory_space<semaphore_mem>>, %arg27: memref<!tpu.dma_semaphore, #tpu.memory_space<semaphore_mem>>) attributes {dimension_semantics = [#tpu.dimension_semantics<core_parallel>, #tpu.dimension_semantics<subcore_parallel>], iteration_bounds = array<i64: 2, 16>, scalar_prefetch = 0 : i64, scratch_operands = 21 : i64, tpu.core_type = #tpu.core_type<sc_vector_subcore>, window_params = [{transform_indices = #map}, {transform_indices = #map}, {transform_indices = #map1}, {transform_indices = #map1}, {transform_indices = #map}]} {
    %mul3A = arith.constant 632 : i32
    %mul3A_0 = arith.muli %arg1, %mul3A : i32
    %min3A = arith.constant 9400 : i32
    %min3A_1 = arith.minsi %mul3A_0, %min3A : i32
    %mul3A_2 = arith.constant 632 : i32
    %mul3A_3 = arith.muli %arg1, %mul3A_2 : i32
    %min3A_4 = arith.constant 9368 : i32
    %min3A_5 = arith.minsi %mul3A_3, %min3A_4 : i32
    %mul3A_6 = arith.constant 20096 : i32
    %mul3A_7 = arith.muli %arg1, %mul3A_6 : i32
    %mul3A_8 = arith.constant 2 : i32
    %mul3A_9 = arith.muli %mul3A_8, %arg0 : i32
    %sub3A = arith.constant 1 : i32
    %sub3A_10 = arith.subi %mul3A_9, %sub3A : i32
    %scan3A = arith.constant 0 : i32
    %scan3A_11 = arith.constant 0 : i32
    %scan3A_12 = arith.constant 64 : i32
    %scan3A_13 = arith.addi %scan3A_11, %scan3A_12 : i32
    %scan3A_14 = arith.constant 1 : i32
    scf.for %scan3A_202 = %scan3A_11 to %scan3A_13 step %scan3A_14  : i32 {
      %broadcast_in_dim3A = arith.constant 0.000000e+00 : f32
      %broadcast_in_dim3A_203 = vector.broadcast %broadcast_in_dim3A : f32 to vector<16xf32>
      %swap3A_204 = arith.index_cast %scan3A_202 : i32 to index
      %swap3A_205 = arith.constant 0 : index
      %swap3A_206 = tpu.vector_load %arg16[%swap3A_204, %swap3A_205] {strides = array<i32>} : memref<64x128xf32, #tpu.memory_space<vmem>>, vector<1x16xf32>,
      %swap3A_207 = vector.shape_cast %swap3A_206 : vector<1x16xf32> to vector<16xf32>
      %swap3A_208 = vector.shape_cast %broadcast_in_dim3A_203 : vector<16xf32> to vector<1x16xf32>
      tpu.vector_store %arg16[%swap3A_204, %swap3A_205], %swap3A_208 {strides = array<i32>} : memref<64x128xf32, #tpu.memory_space<vmem>>, vector<1x16xf32>,
      %broadcast_in_dim3A_209 = arith.constant 0.000000e+00 : f32
      %broadcast_in_dim3A_210 = vector.broadcast %broadcast_in_dim3A_209 : f32 to vector<16xf32>
      %swap3A_211 = arith.index_cast %scan3A_202 : i32 to index
      %swap3A_212 = arith.constant 16 : index
      %swap3A_213 = tpu.vector_load %arg16[%swap3A_211, %swap3A_212] {strides = array<i32>} : memref<64x128xf32, #tpu.memory_space<vmem>>, vector<1x16xf32>,
      %swap3A_214 = vector.shape_cast %swap3A_213 : vector<1x16xf32> to vector<16xf32>
      %swap3A_215 = vector.shape_cast %broadcast_in_dim3A_210 : vector<16xf32> to vector<1x16xf32>
      tpu.vector_store %arg16[%swap3A_211, %swap3A_212], %swap3A_215 {strides = array<i32>} : memref<64x128xf32, #tpu.memory_space<vmem>>, vector<1x16xf32>,
      %broadcast_in_dim3A_216 = arith.constant 0.000000e+00 : f32
      %broadcast_in_dim3A_217 = vector.broadcast %broadcast_in_dim3A_216 : f32 to vector<16xf32>
      %swap3A_218 = arith.index_cast %scan3A_202 : i32 to index
      %swap3A_219 = arith.constant 32 : index
      %swap3A_220 = tpu.vector_load %arg16[%swap3A_218, %swap3A_219] {strides = array<i32>} : memref<64x128xf32, #tpu.memory_space<vmem>>, vector<1x16xf32>,
      %swap3A_221 = vector.shape_cast %swap3A_220 : vector<1x16xf32> to vector<16xf32>
      %swap3A_222 = vector.shape_cast %broadcast_in_dim3A_217 : vector<16xf32> to vector<1x16xf32>
      tpu.vector_store %arg16[%swap3A_218, %swap3A_219], %swap3A_222 {strides = array<i32>} : memref<64x128xf32, #tpu.memory_space<vmem>>, vector<1x16xf32>,
      %broadcast_in_dim3A_223 = arith.constant 0.000000e+00 : f32
      %broadcast_in_dim3A_224 = vector.broadcast %broadcast_in_dim3A_223 : f32 to vector<16xf32>
      %swap3A_225 = arith.index_cast %scan3A_202 : i32 to index
      %swap3A_226 = arith.constant 48 : index
      %swap3A_227 = tpu.vector_load %arg16[%swap3A_225, %swap3A_226] {strides = array<i32>} : memref<64x128xf32, #tpu.memory_space<vmem>>, vector<1x16xf32>,
      %swap3A_228 = vector.shape_cast %swap3A_227 : vector<1x16xf32> to vector<16xf32>
      %swap3A_229 = vector.shape_cast %broadcast_in_dim3A_224 : vector<16xf32> to vector<1x16xf32>
      tpu.vector_store %arg16[%swap3A_225, %swap3A_226], %swap3A_229 {strides = array<i32>} : memref<64x128xf32, #tpu.memory_space<vmem>>, vector<1x16xf32>,
      %broadcast_in_dim3A_230 = arith.constant 0.000000e+00 : f32
      %broadcast_in_dim3A_231 = vector.broadcast %broadcast_in_dim3A_230 : f32 to vector<16xf32>
      %swap3A_232 = arith.index_cast %scan3A_202 : i32 to index
      %swap3A_233 = arith.constant 64 : index
      %swap3A_234 = tpu.vector_load %arg16[%swap3A_232, %swap3A_233] {strides = array<i32>} : memref<64x128xf32, #tpu.memory_space<vmem>>, vector<1x16xf32>,
      %swap3A_235 = vector.shape_cast %swap3A_234 : vector<1x16xf32> to vector<16xf32>
      %swap3A_236 = vector.shape_cast %broadcast_in_dim3A_231 : vector<16xf32> to vector<1x16xf32>
      tpu.vector_store %arg16[%swap3A_232, %swap3A_233], %swap3A_236 {strides = array<i32>} : memref<64x128xf32, #tpu.memory_space<vmem>>, vector<1x16xf32>,
      %broadcast_in_dim3A_237 = arith.constant 0.000000e+00 : f32
      %broadcast_in_dim3A_238 = vector.broadcast %broadcast_in_dim3A_237 : f32 to vector<16xf32>
      %swap3A_239 = arith.index_cast %scan3A_202 : i32 to index
      %swap3A_240 = arith.constant 80 : index
      %swap3A_241 = tpu.vector_load %arg16[%swap3A_239, %swap3A_240] {strides = array<i32>} : memref<64x128xf32, #tpu.memory_space<vmem>>, vector<1x16xf32>,
      %swap3A_242 = vector.shape_cast %swap3A_241 : vector<1x16xf32> to vector<16xf32>
      %swap3A_243 = vector.shape_cast %broadcast_in_dim3A_238 : vector<16xf32> to vector<1x16xf32>
      tpu.vector_store %arg16[%swap3A_239, %swap3A_240], %swap3A_243 {strides = array<i32>} : memref<64x128xf32, #tpu.memory_space<vmem>>, vector<1x16xf32>,
      %broadcast_in_dim3A_244 = arith.constant 0.000000e+00 : f32
      %broadcast_in_dim3A_245 = vector.broadcast %broadcast_in_dim3A_244 : f32 to vector<16xf32>
      %swap3A_246 = arith.index_cast %scan3A_202 : i32 to index
      %swap3A_247 = arith.constant 96 : index
      %swap3A_248 = tpu.vector_load %arg16[%swap3A_246, %swap3A_247] {strides = array<i32>} : memref<64x128xf32, #tpu.memory_space<vmem>>, vector<1x16xf32>,
      %swap3A_249 = vector.shape_cast %swap3A_248 : vector<1x16xf32> to vector<16xf32>
      %swap3A_250 = vector.shape_cast %broadcast_in_dim3A_245 : vector<16xf32> to vector<1x16xf32>
      tpu.vector_store %arg16[%swap3A_246, %swap3A_247], %swap3A_250 {strides = array<i32>} : memref<64x128xf32, #tpu.memory_space<vmem>>, vector<1x16xf32>,
      %broadcast_in_dim3A_251 = arith.constant 0.000000e+00 : f32
      %broadcast_in_dim3A_252 = vector.broadcast %broadcast_in_dim3A_251 : f32 to vector<16xf32>
      %swap3A_253 = arith.index_cast %scan3A_202 : i32 to index
      %swap3A_254 = arith.constant 112 : index
      %swap3A_255 = tpu.vector_load %arg16[%swap3A_253, %swap3A_254] {strides = array<i32>} : memref<64x128xf32, #tpu.memory_space<vmem>>, vector<1x16xf32>,
      %swap3A_256 = vector.shape_cast %swap3A_255 : vector<1x16xf32> to vector<16xf32>
      %swap3A_257 = vector.shape_cast %broadcast_in_dim3A_252 : vector<16xf32> to vector<1x16xf32>
      tpu.vector_store %arg16[%swap3A_253, %swap3A_254], %swap3A_257 {strides = array<i32>} : memref<64x128xf32, #tpu.memory_space<vmem>>, vector<1x16xf32>,
    }
    %scan3A_15 = arith.constant 64 : i32
    %add3A = arith.constant 0 : i32
    %add3A_16 = arith.addi %min3A_1, %add3A : i32
    "tpu.region"() ({
      %run_scoped3A = tpu.sem_alloc : memref<!tpu.dma_semaphore, #tpu.memory_space<semaphore_mem>>
      %dma_start3A_202 = arith.constant 0 : i32
      %dma_start3A_203 = tpu.memref_slice %arg7[%add3A_16, %dma_start3A_202] : memref<10032x128xf32, #tpu.memory_space<vmem_shared>> -> memref<64x128xf32, #tpu.memory_space<vmem_shared>>
      %dma_start3A_204 = arith.constant 0 : i32
      %dma_start3A_205 = tpu.memref_slice %arg7[%add3A_16, %dma_start3A_204] : memref<10032x128xf32, #tpu.memory_space<vmem_shared>> -> memref<64x128xf32, #tpu.memory_space<vmem_shared>>
      tpu.enqueue_dma source(%arg16 : memref<64x128xf32, #tpu.memory_space<vmem>>) target(%dma_start3A_205 : memref<64x128xf32, #tpu.memory_space<vmem_shared>>) target_semaphore(%run_scoped3A : memref<!tpu.dma_semaphore, #tpu.memory_space<semaphore_mem>>)
      %dma_wait3A_206 = arith.constant 0 : i32
      %dma_wait3A_207 = tpu.memref_slice %arg7[%add3A_16, %dma_wait3A_206] : memref<10032x128xf32, #tpu.memory_space<vmem_shared>> -> memref<64x128xf32, #tpu.memory_space<vmem_shared>>
      %dma_wait3A_208 = arith.constant 0 : i32
      %dma_wait3A_209 = tpu.memref_slice %arg7[%add3A_16, %dma_wait3A_208] : memref<10032x128xf32, #tpu.memory_space<vmem_shared>> -> memref<64x128xf32, #tpu.memory_space<vmem_shared>>
      tpu.wait_dma2 semaphore(%run_scoped3A : memref<!tpu.dma_semaphore, #tpu.memory_space<semaphore_mem>>) src(%arg16 : memref<64x128xf32, #tpu.memory_space<vmem>>) dst(%dma_wait3A_209 : memref<64x128xf32, #tpu.memory_space<vmem_shared>>)
      tpu.yield
    }) : () -> ()
    %add3A_17 = arith.constant 64 : i32
    %add3A_18 = arith.addi %min3A_1, %add3A_17 : i32
    "tpu.region"() ({
      %run_scoped3A = tpu.sem_alloc : memref<!tpu.dma_semaphore, #tpu.memory_space<semaphore_mem>>
      %dma_start3A_202 = arith.constant 0 : i32
      %dma_start3A_203 = tpu.memref_slice %arg7[%add3A_18, %dma_start3A_202] : memref<10032x128xf32, #tpu.memory_space<vmem_shared>> -> memref<64x128xf32, #tpu.memory_space<vmem_shared>>
      %dma_start3A_204 = arith.constant 0 : i32
      %dma_start3A_205 = tpu.memref_slice %arg7[%add3A_18, %dma_start3A_204] : memref<10032x128xf32, #tpu.memory_space<vmem_shared>> -> memref<64x128xf32, #tpu.memory_space<vmem_shared>>
      tpu.enqueue_dma source(%arg16 : memref<64x128xf32, #tpu.memory_space<vmem>>) target(%dma_start3A_205 : memref<64x128xf32, #tpu.memory_space<vmem_shared>>) target_semaphore(%run_scoped3A : memref<!tpu.dma_semaphore, #tpu.memory_space<semaphore_mem>>)
      %dma_wait3A_206 = arith.constant 0 : i32
      %dma_wait3A_207 = tpu.memref_slice %arg7[%add3A_18, %dma_wait3A_206] : memref<10032x128xf32, #tpu.memory_space<vmem_shared>> -> memref<64x128xf32, #tpu.memory_space<vmem_shared>>
      %dma_wait3A_208 = arith.constant 0 : i32
      %dma_wait3A_209 = tpu.memref_slice %arg7[%add3A_18, %dma_wait3A_208] : memref<10032x128xf32, #tpu.memory_space<vmem_shared>> -> memref<64x128xf32, #tpu.memory_space<vmem_shared>>
      tpu.wait_dma2 semaphore(%run_scoped3A : memref<!tpu.dma_semaphore, #tpu.memory_space<semaphore_mem>>) src(%arg16 : memref<64x128xf32, #tpu.memory_space<vmem>>) dst(%dma_wait3A_209 : memref<64x128xf32, #tpu.memory_space<vmem_shared>>)
      tpu.yield
    }) : () -> ()
    %add3A_19 = arith.constant 128 : i32
    %add3A_20 = arith.addi %min3A_1, %add3A_19 : i32
    "tpu.region"() ({
      %run_scoped3A = tpu.sem_alloc : memref<!tpu.dma_semaphore, #tpu.memory_space<semaphore_mem>>
      %dma_start3A_202 = arith.constant 0 : i32
      %dma_start3A_203 = tpu.memref_slice %arg7[%add3A_20, %dma_start3A_202] : memref<10032x128xf32, #tpu.memory_space<vmem_shared>> -> memref<64x128xf32, #tpu.memory_space<vmem_shared>>
      %dma_start3A_204 = arith.constant 0 : i32
      %dma_start3A_205 = tpu.memref_slice %arg7[%add3A_20, %dma_start3A_204] : memref<10032x128xf32, #tpu.memory_space<vmem_shared>> -> memref<64x128xf32, #tpu.memory_space<vmem_shared>>
      tpu.enqueue_dma source(%arg16 : memref<64x128xf32, #tpu.memory_space<vmem>>) target(%dma_start3A_205 : memref<64x128xf32, #tpu.memory_space<vmem_shared>>) target_semaphore(%run_scoped3A : memref<!tpu.dma_semaphore, #tpu.memory_space<semaphore_mem>>)
      %dma_wait3A_206 = arith.constant 0 : i32
      %dma_wait3A_207 = tpu.memref_slice %arg7[%add3A_20, %dma_wait3A_206] : memref<10032x128xf32, #tpu.memory_space<vmem_shared>> -> memref<64x128xf32, #tpu.memory_space<vmem_shared>>
      %dma_wait3A_208 = arith.constant 0 : i32
      %dma_wait3A_209 = tpu.memref_slice %arg7[%add3A_20, %dma_wait3A_208] : memref<10032x128xf32, #tpu.memory_space<vmem_shared>> -> memref<64x128xf32, #tpu.memory_space<vmem_shared>>
      tpu.wait_dma2 semaphore(%run_scoped3A : memref<!tpu.dma_semaphore, #tpu.memory_space<semaphore_mem>>) src(%arg16 : memref<64x128xf32, #tpu.memory_space<vmem>>) dst(%dma_wait3A_209 : memref<64x128xf32, #tpu.memory_space<vmem_shared>>)
      tpu.yield
    }) : () -> ()
    %add3A_21 = arith.constant 192 : i32
    %add3A_22 = arith.addi %min3A_1, %add3A_21 : i32
    "tpu.region"() ({
      %run_scoped3A = tpu.sem_alloc : memref<!tpu.dma_semaphore, #tpu.memory_space<semaphore_mem>>
      %dma_start3A_202 = arith.constant 0 : i32
      %dma_start3A_203 = tpu.memref_slice %arg7[%add3A_22, %dma_start3A_202] : memref<10032x128xf32, #tpu.memory_space<vmem_shared>> -> memref<64x128xf32, #tpu.memory_space<vmem_shared>>
      %dma_start3A_204 = arith.constant 0 : i32
      %dma_start3A_205 = tpu.memref_slice %arg7[%add3A_22, %dma_start3A_204] : memref<10032x128xf32, #tpu.memory_space<vmem_shared>> -> memref<64x128xf32, #tpu.memory_space<vmem_shared>>
      tpu.enqueue_dma source(%arg16 : memref<64x128xf32, #tpu.memory_space<vmem>>) target(%dma_start3A_205 : memref<64x128xf32, #tpu.memory_space<vmem_shared>>) target_semaphore(%run_scoped3A : memref<!tpu.dma_semaphore, #tpu.memory_space<semaphore_mem>>)
      %dma_wait3A_206 = arith.constant 0 : i32
      %dma_wait3A_207 = tpu.memref_slice %arg7[%add3A_22, %dma_wait3A_206] : memref<10032x128xf32, #tpu.memory_space<vmem_shared>> -> memref<64x128xf32, #tpu.memory_space<vmem_shared>>
      %dma_wait3A_208 = arith.constant 0 : i32
      %dma_wait3A_209 = tpu.memref_slice %arg7[%add3A_22, %dma_wait3A_208] : memref<10032x128xf32, #tpu.memory_space<vmem_shared>> -> memref<64x128xf32, #tpu.memory_space<vmem_shared>>
      tpu.wait_dma2 semaphore(%run_scoped3A : memref<!tpu.dma_semaphore, #tpu.memory_space<semaphore_mem>>) src(%arg16 : memref<64x128xf32, #tpu.memory_space<vmem>>) dst(%dma_wait3A_209 : memref<64x128xf32, #tpu.memory_space<vmem_shared>>)
      tpu.yield
    }) : () -> ()
    %add3A_23 = arith.constant 256 : i32
    %add3A_24 = arith.addi %min3A_1, %add3A_23 : i32
    "tpu.region"() ({
      %run_scoped3A = tpu.sem_alloc : memref<!tpu.dma_semaphore, #tpu.memory_space<semaphore_mem>>
      %dma_start3A_202 = arith.constant 0 : i32
      %dma_start3A_203 = tpu.memref_slice %arg7[%add3A_24, %dma_start3A_202] : memref<10032x128xf32, #tpu.memory_space<vmem_shared>> -> memref<64x128xf32, #tpu.memory_space<vmem_shared>>
      %dma_start3A_204 = arith.constant 0 : i32
      %dma_start3A_205 = tpu.memref_slice %arg7[%add3A_24, %dma_start3A_204] : memref<10032x128xf32, #tpu.memory_space<vmem_shared>> -> memref<64x128xf32, #tpu.memory_space<vmem_shared>>
      tpu.enqueue_dma source(%arg16 : memref<64x128xf32, #tpu.memory_space<vmem>>) target(%dma_start3A_205 : memref<64x128xf32, #tpu.memory_space<vmem_shared>>) target_semaphore(%run_scoped3A : memref<!tpu.dma_semaphore, #tpu.memory_space<semaphore_mem>>)
      %dma_wait3A_206 = arith.constant 0 : i32
      %dma_wait3A_207 = tpu.memref_slice %arg7[%add3A_24, %dma_wait3A_206] : memref<10032x128xf32, #tpu.memory_space<vmem_shared>> -> memref<64x128xf32, #tpu.memory_space<vmem_shared>>
      %dma_wait3A_208 = arith.constant 0 : i32
      %dma_wait3A_209 = tpu.memref_slice %arg7[%add3A_24, %dma_wait3A_208] : memref<10032x128xf32, #tpu.memory_space<vmem_shared>> -> memref<64x128xf32, #tpu.memory_space<vmem_shared>>
      tpu.wait_dma2 semaphore(%run_scoped3A : memref<!tpu.dma_semaphore, #tpu.memory_space<semaphore_mem>>) src(%arg16 : memref<64x128xf32, #tpu.memory_space<vmem>>) dst(%dma_wait3A_209 : memref<64x128xf32, #tpu.memory_space<vmem_shared>>)
      tpu.yield
    }) : () -> ()
    %add3A_25 = arith.constant 320 : i32
    %add3A_26 = arith.addi %min3A_1, %add3A_25 : i32
    "tpu.region"() ({
      %run_scoped3A = tpu.sem_alloc : memref<!tpu.dma_semaphore, #tpu.memory_space<semaphore_mem>>
      %dma_start3A_202 = arith.constant 0 : i32
      %dma_start3A_203 = tpu.memref_slice %arg7[%add3A_26, %dma_start3A_202] : memref<10032x128xf32, #tpu.memory_space<vmem_shared>> -> memref<64x128xf32, #tpu.memory_space<vmem_shared>>
      %dma_start3A_204 = arith.constant 0 : i32
      %dma_start3A_205 = tpu.memref_slice %arg7[%add3A_26, %dma_start3A_204] : memref<10032x128xf32, #tpu.memory_space<vmem_shared>> -> memref<64x128xf32, #tpu.memory_space<vmem_shared>>
      tpu.enqueue_dma source(%arg16 : memref<64x128xf32, #tpu.memory_space<vmem>>) target(%dma_start3A_205 : memref<64x128xf32, #tpu.memory_space<vmem_shared>>) target_semaphore(%run_scoped3A : memref<!tpu.dma_semaphore, #tpu.memory_space<semaphore_mem>>)
      %dma_wait3A_206 = arith.constant 0 : i32
      %dma_wait3A_207 = tpu.memref_slice %arg7[%add3A_26, %dma_wait3A_206] : memref<10032x128xf32, #tpu.memory_space<vmem_shared>> -> memref<64x128xf32, #tpu.memory_space<vmem_shared>>
      %dma_wait3A_208 = arith.constant 0 : i32
      %dma_wait3A_209 = tpu.memref_slice %arg7[%add3A_26, %dma_wait3A_208] : memref<10032x128xf32, #tpu.memory_space<vmem_shared>> -> memref<64x128xf32, #tpu.memory_space<vmem_shared>>
      tpu.wait_dma2 semaphore(%run_scoped3A : memref<!tpu.dma_semaphore, #tpu.memory_space<semaphore_mem>>) src(%arg16 : memref<64x128xf32, #tpu.memory_space<vmem>>) dst(%dma_wait3A_209 : memref<64x128xf32, #tpu.memory_space<vmem_shared>>)
      tpu.yield
    }) : () -> ()
    %add3A_27 = arith.constant 384 : i32
    %add3A_28 = arith.addi %min3A_1, %add3A_27 : i32
    "tpu.region"() ({
      %run_scoped3A = tpu.sem_alloc : memref<!tpu.dma_semaphore, #tpu.memory_space<semaphore_mem>>
      %dma_start3A_202 = arith.constant 0 : i32
      %dma_start3A_203 = tpu.memref_slice %arg7[%add3A_28, %dma_start3A_202] : memref<10032x128xf32, #tpu.memory_space<vmem_shared>> -> memref<64x128xf32, #tpu.memory_space<vmem_shared>>
      %dma_start3A_204 = arith.constant 0 : i32
      %dma_start3A_205 = tpu.memref_slice %arg7[%add3A_28, %dma_start3A_204] : memref<10032x128xf32, #tpu.memory_space<vmem_shared>> -> memref<64x128xf32, #tpu.memory_space<vmem_shared>>
      tpu.enqueue_dma source(%arg16 : memref<64x128xf32, #tpu.memory_space<vmem>>) target(%dma_start3A_205 : memref<64x128xf32, #tpu.memory_space<vmem_shared>>) target_semaphore(%run_scoped3A : memref<!tpu.dma_semaphore, #tpu.memory_space<semaphore_mem>>)
      %dma_wait3A_206 = arith.constant 0 : i32
      %dma_wait3A_207 = tpu.memref_slice %arg7[%add3A_28, %dma_wait3A_206] : memref<10032x128xf32, #tpu.memory_space<vmem_shared>> -> memref<64x128xf32, #tpu.memory_space<vmem_shared>>
      %dma_wait3A_208 = arith.constant 0 : i32
      %dma_wait3A_209 = tpu.memref_slice %arg7[%add3A_28, %dma_wait3A_208] : memref<10032x128xf32, #tpu.memory_space<vmem_shared>> -> memref<64x128xf32, #tpu.memory_space<vmem_shared>>
      tpu.wait_dma2 semaphore(%run_scoped3A : memref<!tpu.dma_semaphore, #tpu.memory_space<semaphore_mem>>) src(%arg16 : memref<64x128xf32, #tpu.memory_space<vmem>>) dst(%dma_wait3A_209 : memref<64x128xf32, #tpu.memory_space<vmem_shared>>)
      tpu.yield
    }) : () -> ()
    %add3A_29 = arith.constant 448 : i32
    %add3A_30 = arith.addi %min3A_1, %add3A_29 : i32
    "tpu.region"() ({
      %run_scoped3A = tpu.sem_alloc : memref<!tpu.dma_semaphore, #tpu.memory_space<semaphore_mem>>
      %dma_start3A_202 = arith.constant 0 : i32
      %dma_start3A_203 = tpu.memref_slice %arg7[%add3A_30, %dma_start3A_202] : memref<10032x128xf32, #tpu.memory_space<vmem_shared>> -> memref<64x128xf32, #tpu.memory_space<vmem_shared>>
      %dma_start3A_204 = arith.constant 0 : i32
      %dma_start3A_205 = tpu.memref_slice %arg7[%add3A_30, %dma_start3A_204] : memref<10032x128xf32, #tpu.memory_space<vmem_shared>> -> memref<64x128xf32, #tpu.memory_space<vmem_shared>>
      tpu.enqueue_dma source(%arg16 : memref<64x128xf32, #tpu.memory_space<vmem>>) target(%dma_start3A_205 : memref<64x128xf32, #tpu.memory_space<vmem_shared>>) target_semaphore(%run_scoped3A : memref<!tpu.dma_semaphore, #tpu.memory_space<semaphore_mem>>)
      %dma_wait3A_206 = arith.constant 0 : i32
      %dma_wait3A_207 = tpu.memref_slice %arg7[%add3A_30, %dma_wait3A_206] : memref<10032x128xf32, #tpu.memory_space<vmem_shared>> -> memref<64x128xf32, #tpu.memory_space<vmem_shared>>
      %dma_wait3A_208 = arith.constant 0 : i32
      %dma_wait3A_209 = tpu.memref_slice %arg7[%add3A_30, %dma_wait3A_208] : memref<10032x128xf32, #tpu.memory_space<vmem_shared>> -> memref<64x128xf32, #tpu.memory_space<vmem_shared>>
      tpu.wait_dma2 semaphore(%run_scoped3A : memref<!tpu.dma_semaphore, #tpu.memory_space<semaphore_mem>>) src(%arg16 : memref<64x128xf32, #tpu.memory_space<vmem>>) dst(%dma_wait3A_209 : memref<64x128xf32, #tpu.memory_space<vmem_shared>>)
      tpu.yield
    }) : () -> ()
    %add3A_31 = arith.constant 512 : i32
    %add3A_32 = arith.addi %min3A_1, %add3A_31 : i32
    "tpu.region"() ({
      %run_scoped3A = tpu.sem_alloc : memref<!tpu.dma_semaphore, #tpu.memory_space<semaphore_mem>>
      %dma_start3A_202 = arith.constant 0 : i32
      %dma_start3A_203 = tpu.memref_slice %arg7[%add3A_32, %dma_start3A_202] : memref<10032x128xf32, #tpu.memory_space<vmem_shared>> -> memref<64x128xf32, #tpu.memory_space<vmem_shared>>
      %dma_start3A_204 = arith.constant 0 : i32
      %dma_start3A_205 = tpu.memref_slice %arg7[%add3A_32, %dma_start3A_204] : memref<10032x128xf32, #tpu.memory_space<vmem_shared>> -> memref<64x128xf32, #tpu.memory_space<vmem_shared>>
      tpu.enqueue_dma source(%arg16 : memref<64x128xf32, #tpu.memory_space<vmem>>) target(%dma_start3A_205 : memref<64x128xf32, #tpu.memory_space<vmem_shared>>) target_semaphore(%run_scoped3A : memref<!tpu.dma_semaphore, #tpu.memory_space<semaphore_mem>>)
      %dma_wait3A_206 = arith.constant 0 : i32
      %dma_wait3A_207 = tpu.memref_slice %arg7[%add3A_32, %dma_wait3A_206] : memref<10032x128xf32, #tpu.memory_space<vmem_shared>> -> memref<64x128xf32, #tpu.memory_space<vmem_shared>>
      %dma_wait3A_208 = arith.constant 0 : i32
      %dma_wait3A_209 = tpu.memref_slice %arg7[%add3A_32, %dma_wait3A_208] : memref<10032x128xf32, #tpu.memory_space<vmem_shared>> -> memref<64x128xf32, #tpu.memory_space<vmem_shared>>
      tpu.wait_dma2 semaphore(%run_scoped3A : memref<!tpu.dma_semaphore, #tpu.memory_space<semaphore_mem>>) src(%arg16 : memref<64x128xf32, #tpu.memory_space<vmem>>) dst(%dma_wait3A_209 : memref<64x128xf32, #tpu.memory_space<vmem_shared>>)
      tpu.yield
    }) : () -> ()
    %add3A_33 = arith.constant 576 : i32
    %add3A_34 = arith.addi %min3A_1, %add3A_33 : i32
    "tpu.region"() ({
      %run_scoped3A = tpu.sem_alloc : memref<!tpu.dma_semaphore, #tpu.memory_space<semaphore_mem>>
      %dma_start3A_202 = arith.constant 0 : i32
      %dma_start3A_203 = arith.constant 0 : i32
      %dma_start3A_204 = tpu.memref_slice %arg16[%dma_start3A_202, %dma_start3A_203] : memref<64x128xf32, #tpu.memory_space<vmem>> -> memref<56x128xf32, #tpu.memory_space<vmem>>
      %dma_start3A_205 = arith.constant 0 : i32
      %dma_start3A_206 = tpu.memref_slice %arg7[%add3A_34, %dma_start3A_205] : memref<10032x128xf32, #tpu.memory_space<vmem_shared>> -> memref<56x128xf32, #tpu.memory_space<vmem_shared>>
      %dma_start3A_207 = arith.constant 0 : i32
      %dma_start3A_208 = tpu.memref_slice %arg7[%add3A_34, %dma_start3A_207] : memref<10032x128xf32, #tpu.memory_space<vmem_shared>> -> memref<56x128xf32, #tpu.memory_space<vmem_shared>>
      %dma_start3A_209 = arith.constant 0 : i32
      %dma_start3A_210 = arith.constant 0 : i32
      %dma_start3A_211 = tpu.memref_slice %arg16[%dma_start3A_209, %dma_start3A_210] : memref<64x128xf32, #tpu.memory_space<vmem>> -> memref<56x128xf32, #tpu.memory_space<vmem>>
      tpu.enqueue_dma source(%dma_start3A_211 : memref<56x128xf32, #tpu.memory_space<vmem>>) target(%dma_start3A_208 : memref<56x128xf32, #tpu.memory_space<vmem_shared>>) target_semaphore(%run_scoped3A : memref<!tpu.dma_semaphore, #tpu.memory_space<semaphore_mem>>)
      %dma_wait3A_212 = arith.constant 0 : i32
      %dma_wait3A_213 = arith.constant 0 : i32
      %dma_wait3A_214 = tpu.memref_slice %arg16[%dma_wait3A_212, %dma_wait3A_213] : memref<64x128xf32, #tpu.memory_space<vmem>> -> memref<56x128xf32, #tpu.memory_space<vmem>>
      %dma_wait3A_215 = arith.constant 0 : i32
      %dma_wait3A_216 = tpu.memref_slice %arg7[%add3A_34, %dma_wait3A_215] : memref<10032x128xf32, #tpu.memory_space<vmem_shared>> -> memref<56x128xf32, #tpu.memory_space<vmem_shared>>
      %dma_wait3A_217 = arith.constant 0 : i32
      %dma_wait3A_218 = tpu.memref_slice %arg7[%add3A_34, %dma_wait3A_217] : memref<10032x128xf32, #tpu.memory_space<vmem_shared>> -> memref<56x128xf32, #tpu.memory_space<vmem_shared>>
      %dma_wait3A_219 = arith.constant 0 : i32
      %dma_wait3A_220 = arith.constant 0 : i32
      %dma_wait3A_221 = tpu.memref_slice %arg16[%dma_wait3A_219, %dma_wait3A_220] : memref<64x128xf32, #tpu.memory_space<vmem>> -> memref<56x128xf32, #tpu.memory_space<vmem>>
      tpu.wait_dma2 semaphore(%run_scoped3A : memref<!tpu.dma_semaphore, #tpu.memory_space<semaphore_mem>>) src(%dma_wait3A_221 : memref<56x128xf32, #tpu.memory_space<vmem>>) dst(%dma_wait3A_218 : memref<56x128xf32, #tpu.memory_space<vmem_shared>>)
      tpu.yield
    }) : () -> ()
    %barrier3A = arith.constant 0 : index
    tpu.barrier barrier_id(%barrier3A)
    %add3A_35 = arith.constant 0 : i32
    %add3A_36 = arith.addi %mul3A_7, %add3A_35 : i32
    %dma_start3A = tpu.memref_slice %arg4[%add3A_36] : memref<321536xi32, #tpu.memory_space<hbm>> -> memref<64xi32, #tpu.memory_space<hbm>>
    %dma_start3A_37 = tpu.memref_slice %arg4[%add3A_36] : memref<321536xi32, #tpu.memory_space<hbm>> -> memref<64xi32, #tpu.memory_space<hbm>>
    tpu.enqueue_dma source(%dma_start3A_37 : memref<64xi32, #tpu.memory_space<hbm>>) target(%arg8 : memref<64xi32, #tpu.memory_space<vmem>>) target_semaphore(%arg20 : memref<!tpu.dma_semaphore, #tpu.memory_space<semaphore_mem>>)
    %add3A_38 = arith.constant 0 : i32
    %add3A_39 = arith.addi %mul3A_7, %add3A_38 : i32
    %dma_start3A_40 = tpu.memref_slice %arg5[%add3A_39] : memref<321536xi32, #tpu.memory_space<hbm>> -> memref<64xi32, #tpu.memory_space<hbm>>
    %dma_start3A_41 = tpu.memref_slice %arg5[%add3A_39] : memref<321536xi32, #tpu.memory_space<hbm>> -> memref<64xi32, #tpu.memory_space<hbm>>
    tpu.enqueue_dma source(%dma_start3A_41 : memref<64xi32, #tpu.memory_space<hbm>>) target(%arg10 : memref<64xi32, #tpu.memory_space<vmem>>) target_semaphore(%arg22 : memref<!tpu.dma_semaphore, #tpu.memory_space<semaphore_mem>>)
    %add3A_42 = arith.constant 0 : i32
    %add3A_43 = arith.addi %mul3A_7, %add3A_42 : i32
    %dma_start3A_44 = arith.constant 0 : i32
    %dma_start3A_45 = tpu.memref_slice %arg3[%add3A_43, %dma_start3A_44] : memref<321536x128xf32, #tpu.memory_space<hbm>> -> memref<64x128xf32, #tpu.memory_space<hbm>>
    %dma_start3A_46 = arith.constant 0 : i32
    %dma_start3A_47 = tpu.memref_slice %arg3[%add3A_43, %dma_start3A_46] : memref<321536x128xf32, #tpu.memory_space<hbm>> -> memref<64x128xf32, #tpu.memory_space<hbm>>
    tpu.enqueue_dma source(%dma_start3A_47 : memref<64x128xf32, #tpu.memory_space<hbm>>) target(%arg16 : memref<64x128xf32, #tpu.memory_space<vmem>>) target_semaphore(%arg24 : memref<!tpu.dma_semaphore, #tpu.memory_space<semaphore_mem>>)
    %dma_wait3A = tpu.memref_slice %arg4[%mul3A_7] : memref<321536xi32, #tpu.memory_space<hbm>> -> memref<64xi32, #tpu.memory_space<hbm>>
    %dma_wait3A_48 = tpu.memref_slice %arg4[%mul3A_7] : memref<321536xi32, #tpu.memory_space<hbm>> -> memref<64xi32, #tpu.memory_space<hbm>>
    tpu.wait_dma2 semaphore(%arg20 : memref<!tpu.dma_semaphore, #tpu.memory_space<semaphore_mem>>) src(%dma_wait3A_48 : memref<64xi32, #tpu.memory_space<hbm>>) dst(%arg8 : memref<64xi32, #tpu.memory_space<vmem>>)
    %dma_wait3A_49 = tpu.memref_slice %arg5[%mul3A_7] : memref<321536xi32, #tpu.memory_space<hbm>> -> memref<64xi32, #tpu.memory_space<hbm>>
    %dma_wait3A_50 = tpu.memref_slice %arg5[%mul3A_7] : memref<321536xi32, #tpu.memory_space<hbm>> -> memref<64xi32, #tpu.memory_space<hbm>>
    tpu.wait_dma2 semaphore(%arg22 : memref<!tpu.dma_semaphore, #tpu.memory_space<semaphore_mem>>) src(%dma_wait3A_50 : memref<64xi32, #tpu.memory_space<hbm>>) dst(%arg10 : memref<64xi32, #tpu.memory_space<vmem>>)
    %get3A = arith.constant 0 : index
    %get3A_51 = tpu.vector_load %arg8[%get3A] {strides = array<i32>} : memref<64xi32, #tpu.memory_space<vmem>>, vector<16xi32>,
    %get3A_52 = vector.shape_cast %get3A_51 : vector<16xi32> to vector<16xi32>
    %get3A_53 = arith.constant 0 : index
    %get3A_54 = tpu.vector_load %arg10[%get3A_53] {strides = array<i32>} : memref<64xi32, #tpu.memory_space<vmem>>, vector<16xi32>,
    %get3A_55 = vector.shape_cast %get3A_54 : vector<16xi32> to vector<16xi32>
    %gt3A = arith.cmpi sgt, %get3A_55, %get3A_52 : vector<16xi32>
    %add3A_56 = arith.constant 10000 : i32
    %add3A_57 = vector.broadcast %add3A_56 : i32 to vector<16xi32>
    %add3A_58 = arith.addi %get3A_55, %add3A_57 : vector<16xi32>
    %select_n3A = arith.select %gt3A, %add3A_58, %get3A_55 : vector<16xi1>, vector<16xi32>
    %swap3A = arith.constant 0 : index
    %swap3A_59 = tpu.vector_load %arg12[%swap3A] {strides = array<i32>} : memref<64xi32, #tpu.memory_space<vmem>>, vector<16xi32>,
    %swap3A_60 = vector.shape_cast %swap3A_59 : vector<16xi32> to vector<16xi32>
    %swap3A_61 = vector.shape_cast %select_n3A : vector<16xi32> to vector<16xi32>
    tpu.vector_store %arg12[%swap3A], %swap3A_61 {strides = array<i32>} : memref<64xi32, #tpu.memory_space<vmem>>, vector<16xi32>,
    %sub3A_62 = arith.subi %get3A_55, %get3A_52 : vector<16xi32>
    %mul3A_63 = vector.broadcast %sub3A_10 : i32 to vector<16xi32>
    %mul3A_64 = arith.muli %sub3A_62, %mul3A_63 : vector<16xi32>
    %gt3A_65 = arith.constant 0 : i32
    %gt3A_66 = vector.broadcast %gt3A_65 : i32 to vector<16xi32>
    %gt3A_67 = arith.cmpi sgt, %mul3A_64, %gt3A_66 : vector<16xi32>
    %iota3A = tpu.iota {dimensions = array<i32: 0>} : vector<16xi32>
    %add3A_68 = arith.constant 0 : i32
    %add3A_69 = vector.broadcast %add3A_68 : i32 to vector<16xi32>
    %add3A_70 = arith.addi %add3A_69, %iota3A : vector<16xi32>
    %and3A = arith.constant 31 : i32
    %and3A_71 = vector.broadcast %and3A : i32 to vector<16xi32>
    %and3A_72 = arith.andi %add3A_70, %and3A_71 : vector<16xi32>
    %add3A_73 = arith.constant 10000 : i32
    %add3A_74 = vector.broadcast %add3A_73 : i32 to vector<16xi32>
    %add3A_75 = arith.addi %add3A_74, %and3A_72 : vector<16xi32>
    %select_n3A_76 = arith.select %gt3A_67, %get3A_52, %add3A_75 : vector<16xi1>, vector<16xi32>
    %swap3A_77 = arith.constant 0 : index
    %swap3A_78 = tpu.vector_load %arg14[%swap3A_77] {strides = array<i32>} : memref<64xi32, #tpu.memory_space<vmem>>, vector<16xi32>,
    %swap3A_79 = vector.shape_cast %swap3A_78 : vector<16xi32> to vector<16xi32>
    %swap3A_80 = vector.shape_cast %select_n3A_76 : vector<16xi32> to vector<16xi32>
    tpu.vector_store %arg14[%swap3A_77], %swap3A_80 {strides = array<i32>} : memref<64xi32, #tpu.memory_space<vmem>>, vector<16xi32>,
    %get3A_81 = arith.constant 16 : index
    %get3A_82 = tpu.vector_load %arg8[%get3A_81] {strides = array<i32>} : memref<64xi32, #tpu.memory_space<vmem>>, vector<16xi32>,
    %get3A_83 = vector.shape_cast %get3A_82 : vector<16xi32> to vector<16xi32>
    %get3A_84 = arith.constant 16 : index
    %get3A_85 = tpu.vector_load %arg10[%get3A_84] {strides = array<i32>} : memref<64xi32, #tpu.memory_space<vmem>>, vector<16xi32>,
    %get3A_86 = vector.shape_cast %get3A_85 : vector<16xi32> to vector<16xi32>
    %gt3A_87 = arith.cmpi sgt, %get3A_86, %get3A_83 : vector<16xi32>
    %add3A_88 = arith.constant 10000 : i32
    %add3A_89 = vector.broadcast %add3A_88 : i32 to vector<16xi32>
    %add3A_90 = arith.addi %get3A_86, %add3A_89 : vector<16xi32>
    %select_n3A_91 = arith.select %gt3A_87, %add3A_90, %get3A_86 : vector<16xi1>, vector<16xi32>
    %swap3A_92 = arith.constant 16 : index
    %swap3A_93 = tpu.vector_load %arg12[%swap3A_92] {strides = array<i32>} : memref<64xi32, #tpu.memory_space<vmem>>, vector<16xi32>,
    %swap3A_94 = vector.shape_cast %swap3A_93 : vector<16xi32> to vector<16xi32>
    %swap3A_95 = vector.shape_cast %select_n3A_91 : vector<16xi32> to vector<16xi32>
    tpu.vector_store %arg12[%swap3A_92], %swap3A_95 {strides = array<i32>} : memref<64xi32, #tpu.memory_space<vmem>>, vector<16xi32>,
    %sub3A_96 = arith.subi %get3A_86, %get3A_83 : vector<16xi32>
    %mul3A_97 = vector.broadcast %sub3A_10 : i32 to vector<16xi32>
    %mul3A_98 = arith.muli %sub3A_96, %mul3A_97 : vector<16xi32>
    %gt3A_99 = arith.constant 0 : i32
    %gt3A_100 = vector.broadcast %gt3A_99 : i32 to vector<16xi32>
    %gt3A_101 = arith.cmpi sgt, %mul3A_98, %gt3A_100 : vector<16xi32>
    %iota3A_102 = tpu.iota {dimensions = array<i32: 0>} : vector<16xi32>
    %add3A_103 = arith.constant 16 : i32
    %add3A_104 = vector.broadcast %add3A_103 : i32 to vector<16xi32>
    %add3A_105 = arith.addi %add3A_104, %iota3A_102 : vector<16xi32>
    %and3A_106 = arith.constant 31 : i32
    %and3A_107 = vector.broadcast %and3A_106 : i32 to vector<16xi32>
    %and3A_108 = arith.andi %add3A_105, %and3A_107 : vector<16xi32>
    %add3A_109 = arith.constant 10000 : i32
    %add3A_110 = vector.broadcast %add3A_109 : i32 to vector<16xi32>
    %add3A_111 = arith.addi %add3A_110, %and3A_108 : vector<16xi32>
    %select_n3A_112 = arith.select %gt3A_101, %get3A_83, %add3A_111 : vector<16xi1>, vector<16xi32>
    %swap3A_113 = arith.constant 16 : index
    %swap3A_114 = tpu.vector_load %arg14[%swap3A_113] {strides = array<i32>} : memref<64xi32, #tpu.memory_space<vmem>>, vector<16xi32>,
    %swap3A_115 = vector.shape_cast %swap3A_114 : vector<16xi32> to vector<16xi32>
    %swap3A_116 = vector.shape_cast %select_n3A_112 : vector<16xi32> to vector<16xi32>
    tpu.vector_store %arg14[%swap3A_113], %swap3A_116 {strides = array<i32>} : memref<64xi32, #tpu.memory_space<vmem>>, vector<16xi32>,
    %get3A_117 = arith.constant 32 : index
    %get3A_118 = tpu.vector_load %arg8[%get3A_117] {strides = array<i32>} : memref<64xi32, #tpu.memory_space<vmem>>, vector<16xi32>,
    %get3A_119 = vector.shape_cast %get3A_118 : vector<16xi32> to vector<16xi32>
    %get3A_120 = arith.constant 32 : index
    %get3A_121 = tpu.vector_load %arg10[%get3A_120] {strides = array<i32>} : memref<64xi32, #tpu.memory_space<vmem>>, vector<16xi32>,
    %get3A_122 = vector.shape_cast %get3A_121 : vector<16xi32> to vector<16xi32>
    %gt3A_123 = arith.cmpi sgt, %get3A_122, %get3A_119 : vector<16xi32>
    %add3A_124 = arith.constant 10000 : i32
    %add3A_125 = vector.broadcast %add3A_124 : i32 to vector<16xi32>
    %add3A_126 = arith.addi %get3A_122, %add3A_125 : vector<16xi32>
    %select_n3A_127 = arith.select %gt3A_123, %add3A_126, %get3A_122 : vector<16xi1>, vector<16xi32>
    %swap3A_128 = arith.constant 32 : index
    %swap3A_129 = tpu.vector_load %arg12[%swap3A_128] {strides = array<i32>} : memref<64xi32, #tpu.memory_space<vmem>>, vector<16xi32>,
    %swap3A_130 = vector.shape_cast %swap3A_129 : vector<16xi32> to vector<16xi32>
    %swap3A_131 = vector.shape_cast %select_n3A_127 : vector<16xi32> to vector<16xi32>
    tpu.vector_store %arg12[%swap3A_128], %swap3A_131 {strides = array<i32>} : memref<64xi32, #tpu.memory_space<vmem>>, vector<16xi32>,
    %sub3A_132 = arith.subi %get3A_122, %get3A_119 : vector<16xi32>
    %mul3A_133 = vector.broadcast %sub3A_10 : i32 to vector<16xi32>
    %mul3A_134 = arith.muli %sub3A_132, %mul3A_133 : vector<16xi32>
    %gt3A_135 = arith.constant 0 : i32
    %gt3A_136 = vector.broadcast %gt3A_135 : i32 to vector<16xi32>
    %gt3A_137 = arith.cmpi sgt, %mul3A_134, %gt3A_136 : vector<16xi32>
    %iota3A_138 = tpu.iota {dimensions = array<i32: 0>} : vector<16xi32>
    %add3A_139 = arith.constant 32 : i32
    %add3A_140 = vector.broadcast %add3A_139 : i32 to vector<16xi32>
    %add3A_141 = arith.addi %add3A_140, %iota3A_138 : vector<16xi32>
    %and3A_142 = arith.constant 31 : i32
    %and3A_143 = vector.broadcast %and3A_142 : i32 to vector<16xi32>
    %and3A_144 = arith.andi %add3A_141, %and3A_143 : vector<16xi32>
    %add3A_145 = arith.constant 10000 : i32
    %add3A_146 = vector.broadcast %add3A_145 : i32 to vector<16xi32>
    %add3A_147 = arith.addi %add3A_146, %and3A_144 : vector<16xi32>
    %select_n3A_148 = arith.select %gt3A_137, %get3A_119, %add3A_147 : vector<16xi1>, vector<16xi32>
    %swap3A_149 = arith.constant 32 : index
    %swap3A_150 = tpu.vector_load %arg14[%swap3A_149] {strides = array<i32>} : memref<64xi32, #tpu.memory_space<vmem>>, vector<16xi32>,
    %swap3A_151 = vector.shape_cast %swap3A_150 : vector<16xi32> to vector<16xi32>
    %swap3A_152 = vector.shape_cast %select_n3A_148 : vector<16xi32> to vector<16xi32>
    tpu.vector_store %arg14[%swap3A_149], %swap3A_152 {strides = array<i32>} : memref<64xi32, #tpu.memory_space<vmem>>, vector<16xi32>,
    %get3A_153 = arith.constant 48 : index
    %get3A_154 = tpu.vector_load %arg8[%get3A_153] {strides = array<i32>} : memref<64xi32, #tpu.memory_space<vmem>>, vector<16xi32>,
    %get3A_155 = vector.shape_cast %get3A_154 : vector<16xi32> to vector<16xi32>
    %get3A_156 = arith.constant 48 : index
    %get3A_157 = tpu.vector_load %arg10[%get3A_156] {strides = array<i32>} : memref<64xi32, #tpu.memory_space<vmem>>, vector<16xi32>,
    %get3A_158 = vector.shape_cast %get3A_157 : vector<16xi32> to vector<16xi32>
    %gt3A_159 = arith.cmpi sgt, %get3A_158, %get3A_155 : vector<16xi32>
    %add3A_160 = arith.constant 10000 : i32
    %add3A_161 = vector.broadcast %add3A_160 : i32 to vector<16xi32>
    %add3A_162 = arith.addi %get3A_158, %add3A_161 : vector<16xi32>
    %select_n3A_163 = arith.select %gt3A_159, %add3A_162, %get3A_158 : vector<16xi1>, vector<16xi32>
    %swap3A_164 = arith.constant 48 : index
    %swap3A_165 = tpu.vector_load %arg12[%swap3A_164] {strides = array<i32>} : memref<64xi32, #tpu.memory_space<vmem>>, vector<16xi32>,
    %swap3A_166 = vector.shape_cast %swap3A_165 : vector<16xi32> to vector<16xi32>
    %swap3A_167 = vector.shape_cast %select_n3A_163 : vector<16xi32> to vector<16xi32>
    tpu.vector_store %arg12[%swap3A_164], %swap3A_167 {strides = array<i32>} : memref<64xi32, #tpu.memory_space<vmem>>, vector<16xi32>,
    %sub3A_168 = arith.subi %get3A_158, %get3A_155 : vector<16xi32>
    %mul3A_169 = vector.broadcast %sub3A_10 : i32 to vector<16xi32>
    %mul3A_170 = arith.muli %sub3A_168, %mul3A_169 : vector<16xi32>
    %gt3A_171 = arith.constant 0 : i32
    %gt3A_172 = vector.broadcast %gt3A_171 : i32 to vector<16xi32>
    %gt3A_173 = arith.cmpi sgt, %mul3A_170, %gt3A_172 : vector<16xi32>
    %iota3A_174 = tpu.iota {dimensions = array<i32: 0>} : vector<16xi32>
    %add3A_175 = arith.constant 48 : i32
    %add3A_176 = vector.broadcast %add3A_175 : i32 to vector<16xi32>
    %add3A_177 = arith.addi %add3A_176, %iota3A_174 : vector<16xi32>
    %and3A_178 = arith.constant 31 : i32
    %and3A_179 = vector.broadcast %and3A_178 : i32 to vector<16xi32>
    %and3A_180 = arith.andi %add3A_177, %and3A_179 : vector<16xi32>
    %add3A_181 = arith.constant 10000 : i32
    %add3A_182 = vector.broadcast %add3A_181 : i32 to vector<16xi32>
    %add3A_183 = arith.addi %add3A_182, %and3A_180 : vector<16xi32>
    %select_n3A_184 = arith.select %gt3A_173, %get3A_155, %add3A_183 : vector<16xi1>, vector<16xi32>
    %swap3A_185 = arith.constant 48 : index
    %swap3A_186 = tpu.vector_load %arg14[%swap3A_185] {strides = array<i32>} : memref<64xi32, #tpu.memory_space<vmem>>, vector<16xi32>,
    %swap3A_187 = vector.shape_cast %swap3A_186 : vector<16xi32> to vector<16xi32>
    %swap3A_188 = vector.shape_cast %select_n3A_184 : vector<16xi32> to vector<16xi32>
    tpu.vector_store %arg14[%swap3A_185], %swap3A_188 {strides = array<i32>} : memref<64xi32, #tpu.memory_space<vmem>>, vector<16xi32>,
    %dma_start3A_189 = arith.constant 0 : i32
    %dma_start3A_190 = arith.constant 0 : i32
    %dma_start3A_191 = tpu.memref_slice %arg2[%dma_start3A_189, %dma_start3A_190] : memref<20000x128xf32, #tpu.memory_space<hbm>> -> memref<20000x128xf32, #tpu.memory_space<hbm>>
    tpu.enqueue_indirect_dma source(%dma_start3A_191 : memref<20000x128xf32, #tpu.memory_space<hbm>>) target(%arg18 : memref<64x128xf32, #tpu.memory_space<vmem>>) offsets(%arg12 : memref<64xi32, #tpu.memory_space<vmem>>) semaphore(%arg26 : memref<!tpu.dma_semaphore, #tpu.memory_space<semaphore_mem>>)
    %scan3A_192 = arith.constant 0 : i32
    %scan3A_193 = arith.constant 0 : i32
    %scan3A_194 = arith.constant 157 : i32
    %scan3A_195 = arith.addi %scan3A_193, %scan3A_194 : i32
    %scan3A_196 = arith.constant 1 : i32
    scf.for %scan3A_202 = %scan3A_193 to %scan3A_195 step %scan3A_196  : i32 {
      %mul3A_203 = arith.constant 2 : i32
      %mul3A_204 = arith.muli %mul3A_203, %scan3A_202 : i32
      %add3A_205 = arith.constant 1 : i32
      %add3A_206 = arith.addi %mul3A_204, %add3A_205 : i32
      %mul3A_207 = arith.constant 64 : i32
      %mul3A_208 = arith.muli %add3A_206, %mul3A_207 : i32
      %add3A_209 = arith.addi %mul3A_7, %mul3A_208 : i32
      %dma_start3A_210 = tpu.memref_slice %arg4[%add3A_209] : memref<321536xi32, #tpu.memory_space<hbm>> -> memref<64xi32, #tpu.memory_space<hbm>>
      %dma_start3A_211 = tpu.memref_slice %arg4[%add3A_209] : memref<321536xi32, #tpu.memory_space<hbm>> -> memref<64xi32, #tpu.memory_space<hbm>>
      tpu.enqueue_dma source(%dma_start3A_211 : memref<64xi32, #tpu.memory_space<hbm>>) target(%arg9 : memref<64xi32, #tpu.memory_space<vmem>>) target_semaphore(%arg21 : memref<!tpu.dma_semaphore, #tpu.memory_space<semaphore_mem>>)
      %mul3A_212 = arith.constant 64 : i32
      %mul3A_213 = arith.muli %add3A_206, %mul3A_212 : i32
      %add3A_214 = arith.addi %mul3A_7, %mul3A_213 : i32
      %dma_start3A_215 = tpu.memref_slice %arg5[%add3A_214] : memref<321536xi32, #tpu.memory_space<hbm>> -> memref<64xi32, #tpu.memory_space<hbm>>
      %dma_start3A_216 = tpu.memref_slice %arg5[%add3A_214] : memref<321536xi32, #tpu.memory_space<hbm>> -> memref<64xi32, #tpu.memory_space<hbm>>
      tpu.enqueue_dma source(%dma_start3A_216 : memref<64xi32, #tpu.memory_space<hbm>>) target(%arg11 : memref<64xi32, #tpu.memory_space<vmem>>) target_semaphore(%arg23 : memref<!tpu.dma_semaphore, #tpu.memory_space<semaphore_mem>>)
      %mul3A_217 = arith.constant 64 : i32
      %mul3A_218 = arith.muli %add3A_206, %mul3A_217 : i32
      %add3A_219 = arith.addi %mul3A_7, %mul3A_218 : i32
      %dma_start3A_220 = arith.constant 0 : i32
      %dma_start3A_221 = tpu.memref_slice %arg3[%add3A_219, %dma_start3A_220] : memref<321536x128xf32, #tpu.memory_space<hbm>> -> memref<64x128xf32, #tpu.memory_space<hbm>>
      %dma_start3A_222 = arith.constant 0 : i32
      %dma_start3A_223 = tpu.memref_slice %arg3[%add3A_219, %dma_start3A_222] : memref<321536x128xf32, #tpu.memory_space<hbm>> -> memref<64x128xf32, #tpu.memory_space<hbm>>
      tpu.enqueue_dma source(%dma_start3A_223 : memref<64x128xf32, #tpu.memory_space<hbm>>) target(%arg17 : memref<64x128xf32, #tpu.memory_space<vmem>>) target_semaphore(%arg25 : memref<!tpu.dma_semaphore, #tpu.memory_space<semaphore_mem>>)
      %dma_wait3A_224 = arith.constant 0 : i32
      %dma_wait3A_225 = tpu.memref_slice %arg3[%mul3A_7, %dma_wait3A_224] : memref<321536x128xf32, #tpu.memory_space<hbm>> -> memref<64x128xf32, #tpu.memory_space<hbm>>
      %dma_wait3A_226 = arith.constant 0 : i32
      %dma_wait3A_227 = tpu.memref_slice %arg3[%mul3A_7, %dma_wait3A_226] : memref<321536x128xf32, #tpu.memory_space<hbm>> -> memref<64x128xf32, #tpu.memory_space<hbm>>
      tpu.wait_dma2 semaphore(%arg24 : memref<!tpu.dma_semaphore, #tpu.memory_space<semaphore_mem>>) src(%dma_wait3A_227 : memref<64x128xf32, #tpu.memory_space<hbm>>) dst(%arg16 : memref<64x128xf32, #tpu.memory_space<vmem>>)
      %dma_wait3A_228 = arith.constant 0 : i32
      %dma_wait3A_229 = arith.constant 0 : i32
      %dma_wait3A_230 = tpu.memref_slice %arg2[%dma_wait3A_228, %dma_wait3A_229] : memref<20000x128xf32, #tpu.memory_space<hbm>> -> memref<20000x128xf32, #tpu.memory_space<hbm>>
      tpu.wait_indirect_dma semaphore(%arg26 : memref<!tpu.dma_semaphore, #tpu.memory_space<semaphore_mem>>) src(%dma_wait3A_230 : memref<20000x128xf32, #tpu.memory_space<hbm>>) dst(%arg18 : memref<64x128xf32, #tpu.memory_space<vmem>>)
      %scan3A_231 = arith.constant 0 : i32
      %scan3A_232 = arith.constant 0 : i32
      %scan3A_233 = arith.constant 64 : i32
      %scan3A_234 = arith.addi %scan3A_232, %scan3A_233 : i32
      %scan3A_235 = arith.constant 1 : i32
      scf.for %scan3A_420 = %scan3A_232 to %scan3A_234 step %scan3A_235  : i32 {
        %get3A_421 = arith.index_cast %scan3A_420 : i32 to index
        %get3A_422 = arith.constant 0 : index
        %get3A_423 = tpu.vector_load %arg16[%get3A_421, %get3A_422] {strides = array<i32>} : memref<64x128xf32, #tpu.memory_space<vmem>>, vector<1x16xf32>,
        %get3A_424 = vector.shape_cast %get3A_423 : vector<1x16xf32> to vector<16xf32>
        %get3A_425 = arith.index_cast %scan3A_420 : i32 to index
        %get3A_426 = arith.constant 0 : index
        %get3A_427 = tpu.vector_load %arg18[%get3A_425, %get3A_426] {strides = array<i32>} : memref<64x128xf32, #tpu.memory_space<vmem>>, vector<1x16xf32>,
        %get3A_428 = vector.shape_cast %get3A_427 : vector<1x16xf32> to vector<16xf32>
        %add3A_429 = arith.addf %get3A_424, %get3A_428 : vector<16xf32>
        %max3A = arith.constant 0.000000e+00 : f32
        %max3A_430 = vector.broadcast %max3A : f32 to vector<16xf32>
        %max3A_431 = arith.maximumf %add3A_429, %max3A_430 : vector<16xf32>
        %swap3A_432 = arith.index_cast %scan3A_420 : i32 to index
        %swap3A_433 = arith.constant 0 : index
        %swap3A_434 = tpu.vector_load %arg16[%swap3A_432, %swap3A_433] {strides = array<i32>} : memref<64x128xf32, #tpu.memory_space<vmem>>, vector<1x16xf32>,
        %swap3A_435 = vector.shape_cast %swap3A_434 : vector<1x16xf32> to vector<16xf32>
        %swap3A_436 = vector.shape_cast %max3A_431 : vector<16xf32> to vector<1x16xf32>
        tpu.vector_store %arg16[%swap3A_432, %swap3A_433], %swap3A_436 {strides = array<i32>} : memref<64x128xf32, #tpu.memory_space<vmem>>, vector<1x16xf32>,
        %get3A_437 = arith.index_cast %scan3A_420 : i32 to index
        %get3A_438 = arith.constant 16 : index
        %get3A_439 = tpu.vector_load %arg16[%get3A_437, %get3A_438] {strides = array<i32>} : memref<64x128xf32, #tpu.memory_space<vmem>>, vector<1x16xf32>,
        %get3A_440 = vector.shape_cast %get3A_439 : vector<1x16xf32> to vector<16xf32>
        %get3A_441 = arith.index_cast %scan3A_420 : i32 to index
        %get3A_442 = arith.constant 16 : index
        %get3A_443 = tpu.vector_load %arg18[%get3A_441, %get3A_442] {strides = array<i32>} : memref<64x128xf32, #tpu.memory_space<vmem>>, vector<1x16xf32>,
        %get3A_444 = vector.shape_cast %get3A_443 : vector<1x16xf32> to vector<16xf32>
        %add3A_445 = arith.addf %get3A_440, %get3A_444 : vector<16xf32>
        %max3A_446 = arith.constant 0.000000e+00 : f32
        %max3A_447 = vector.broadcast %max3A_446 : f32 to vector<16xf32>
        %max3A_448 = arith.maximumf %add3A_445, %max3A_447 : vector<16xf32>
        %swap3A_449 = arith.index_cast %scan3A_420 : i32 to index
        %swap3A_450 = arith.constant 16 : index
        %swap3A_451 = tpu.vector_load %arg16[%swap3A_449, %swap3A_450] {strides = array<i32>} : memref<64x128xf32, #tpu.memory_space<vmem>>, vector<1x16xf32>,
        %swap3A_452 = vector.shape_cast %swap3A_451 : vector<1x16xf32> to vector<16xf32>
        %swap3A_453 = vector.shape_cast %max3A_448 : vector<16xf32> to vector<1x16xf32>
        tpu.vector_store %arg16[%swap3A_449, %swap3A_450], %swap3A_453 {strides = array<i32>} : memref<64x128xf32, #tpu.memory_space<vmem>>, vector<1x16xf32>,
        %get3A_454 = arith.index_cast %scan3A_420 : i32 to index
        %get3A_455 = arith.constant 32 : index
        %get3A_456 = tpu.vector_load %arg16[%get3A_454, %get3A_455] {strides = array<i32>} : memref<64x128xf32, #tpu.memory_space<vmem>>, vector<1x16xf32>,
        %get3A_457 = vector.shape_cast %get3A_456 : vector<1x16xf32> to vector<16xf32>
        %get3A_458 = arith.index_cast %scan3A_420 : i32 to index
        %get3A_459 = arith.constant 32 : index
        %get3A_460 = tpu.vector_load %arg18[%get3A_458, %get3A_459] {strides = array<i32>} : memref<64x128xf32, #tpu.memory_space<vmem>>, vector<1x16xf32>,
        %get3A_461 = vector.shape_cast %get3A_460 : vector<1x16xf32> to vector<16xf32>
        %add3A_462 = arith.addf %get3A_457, %get3A_461 : vector<16xf32>
        %max3A_463 = arith.constant 0.000000e+00 : f32
        %max3A_464 = vector.broadcast %max3A_463 : f32 to vector<16xf32>
        %max3A_465 = arith.maximumf %add3A_462, %max3A_464 : vector<16xf32>
        %swap3A_466 = arith.index_cast %scan3A_420 : i32 to index
        %swap3A_467 = arith.constant 32 : index
        %swap3A_468 = tpu.vector_load %arg16[%swap3A_466, %swap3A_467] {strides = array<i32>} : memref<64x128xf32, #tpu.memory_space<vmem>>, vector<1x16xf32>,
        %swap3A_469 = vector.shape_cast %swap3A_468 : vector<1x16xf32> to vector<16xf32>
        %swap3A_470 = vector.shape_cast %max3A_465 : vector<16xf32> to vector<1x16xf32>
        tpu.vector_store %arg16[%swap3A_466, %swap3A_467], %swap3A_470 {strides = array<i32>} : memref<64x128xf32, #tpu.memory_space<vmem>>, vector<1x16xf32>,
        %get3A_471 = arith.index_cast %scan3A_420 : i32 to index
        %get3A_472 = arith.constant 48 : index
        %get3A_473 = tpu.vector_load %arg16[%get3A_471, %get3A_472] {strides = array<i32>} : memref<64x128xf32, #tpu.memory_space<vmem>>, vector<1x16xf32>,
        %get3A_474 = vector.shape_cast %get3A_473 : vector<1x16xf32> to vector<16xf32>
        %get3A_475 = arith.index_cast %scan3A_420 : i32 to index
        %get3A_476 = arith.constant 48 : index
        %get3A_477 = tpu.vector_load %arg18[%get3A_475, %get3A_476] {strides = array<i32>} : memref<64x128xf32, #tpu.memory_space<vmem>>, vector<1x16xf32>,
        %get3A_478 = vector.shape_cast %get3A_477 : vector<1x16xf32> to vector<16xf32>
        %add3A_479 = arith.addf %get3A_474, %get3A_478 : vector<16xf32>
        %max3A_480 = arith.constant 0.000000e+00 : f32
        %max3A_481 = vector.broadcast %max3A_480 : f32 to vector<16xf32>
        %max3A_482 = arith.maximumf %add3A_479, %max3A_481 : vector<16xf32>
        %swap3A_483 = arith.index_cast %scan3A_420 : i32 to index
        %swap3A_484 = arith.constant 48 : index
        %swap3A_485 = tpu.vector_load %arg16[%swap3A_483, %swap3A_484] {strides = array<i32>} : memref<64x128xf32, #tpu.memory_space<vmem>>, vector<1x16xf32>,
        %swap3A_486 = vector.shape_cast %swap3A_485 : vector<1x16xf32> to vector<16xf32>
        %swap3A_487 = vector.shape_cast %max3A_482 : vector<16xf32> to vector<1x16xf32>
        tpu.vector_store %arg16[%swap3A_483, %swap3A_484], %swap3A_487 {strides = array<i32>} : memref<64x128xf32, #tpu.memory_space<vmem>>, vector<1x16xf32>,
        %get3A_488 = arith.index_cast %scan3A_420 : i32 to index
        %get3A_489 = arith.constant 64 : index
        %get3A_490 = tpu.vector_load %arg16[%get3A_488, %get3A_489] {strides = array<i32>} : memref<64x128xf32, #tpu.memory_space<vmem>>, vector<1x16xf32>,
        %get3A_491 = vector.shape_cast %get3A_490 : vector<1x16xf32> to vector<16xf32>
        %get3A_492 = arith.index_cast %scan3A_420 : i32 to index
        %get3A_493 = arith.constant 64 : index
        %get3A_494 = tpu.vector_load %arg18[%get3A_492, %get3A_493] {strides = array<i32>} : memref<64x128xf32, #tpu.memory_space<vmem>>, vector<1x16xf32>,
        %get3A_495 = vector.shape_cast %get3A_494 : vector<1x16xf32> to vector<16xf32>
        %add3A_496 = arith.addf %get3A_491, %get3A_495 : vector<16xf32>
        %max3A_497 = arith.constant 0.000000e+00 : f32
        %max3A_498 = vector.broadcast %max3A_497 : f32 to vector<16xf32>
        %max3A_499 = arith.maximumf %add3A_496, %max3A_498 : vector<16xf32>
        %swap3A_500 = arith.index_cast %scan3A_420 : i32 to index
        %swap3A_501 = arith.constant 64 : index
        %swap3A_502 = tpu.vector_load %arg16[%swap3A_500, %swap3A_501] {strides = array<i32>} : memref<64x128xf32, #tpu.memory_space<vmem>>, vector<1x16xf32>,
        %swap3A_503 = vector.shape_cast %swap3A_502 : vector<1x16xf32> to vector<16xf32>
        %swap3A_504 = vector.shape_cast %max3A_499 : vector<16xf32> to vector<1x16xf32>
        tpu.vector_store %arg16[%swap3A_500, %swap3A_501], %swap3A_504 {strides = array<i32>} : memref<64x128xf32, #tpu.memory_space<vmem>>, vector<1x16xf32>,
        %get3A_505 = arith.index_cast %scan3A_420 : i32 to index
        %get3A_506 = arith.constant 80 : index
        %get3A_507 = tpu.vector_load %arg16[%get3A_505, %get3A_506] {strides = array<i32>} : memref<64x128xf32, #tpu.memory_space<vmem>>, vector<1x16xf32>,
        %get3A_508 = vector.shape_cast %get3A_507 : vector<1x16xf32> to vector<16xf32>
        %get3A_509 = arith.index_cast %scan3A_420 : i32 to index
        %get3A_510 = arith.constant 80 : index
        %get3A_511 = tpu.vector_load %arg18[%get3A_509, %get3A_510] {strides = array<i32>} : memref<64x128xf32, #tpu.memory_space<vmem>>, vector<1x16xf32>,
        %get3A_512 = vector.shape_cast %get3A_511 : vector<1x16xf32> to vector<16xf32>
        %add3A_513 = arith.addf %get3A_508, %get3A_512 : vector<16xf32>
        %max3A_514 = arith.constant 0.000000e+00 : f32
        %max3A_515 = vector.broadcast %max3A_514 : f32 to vector<16xf32>
        %max3A_516 = arith.maximumf %add3A_513, %max3A_515 : vector<16xf32>
        %swap3A_517 = arith.index_cast %scan3A_420 : i32 to index
        %swap3A_518 = arith.constant 80 : index
        %swap3A_519 = tpu.vector_load %arg16[%swap3A_517, %swap3A_518] {strides = array<i32>} : memref<64x128xf32, #tpu.memory_space<vmem>>, vector<1x16xf32>,
        %swap3A_520 = vector.shape_cast %swap3A_519 : vector<1x16xf32> to vector<16xf32>
        %swap3A_521 = vector.shape_cast %max3A_516 : vector<16xf32> to vector<1x16xf32>
        tpu.vector_store %arg16[%swap3A_517, %swap3A_518], %swap3A_521 {strides = array<i32>} : memref<64x128xf32, #tpu.memory_space<vmem>>, vector<1x16xf32>,
        %get3A_522 = arith.index_cast %scan3A_420 : i32 to index
        %get3A_523 = arith.constant 96 : index
        %get3A_524 = tpu.vector_load %arg16[%get3A_522, %get3A_523] {strides = array<i32>} : memref<64x128xf32, #tpu.memory_space<vmem>>, vector<1x16xf32>,
        %get3A_525 = vector.shape_cast %get3A_524 : vector<1x16xf32> to vector<16xf32>
        %get3A_526 = arith.index_cast %scan3A_420 : i32 to index
        %get3A_527 = arith.constant 96 : index
        %get3A_528 = tpu.vector_load %arg18[%get3A_526, %get3A_527] {strides = array<i32>} : memref<64x128xf32, #tpu.memory_space<vmem>>, vector<1x16xf32>,
        %get3A_529 = vector.shape_cast %get3A_528 : vector<1x16xf32> to vector<16xf32>
        %add3A_530 = arith.addf %get3A_525, %get3A_529 : vector<16xf32>
        %max3A_531 = arith.constant 0.000000e+00 : f32
        %max3A_532 = vector.broadcast %max3A_531 : f32 to vector<16xf32>
        %max3A_533 = arith.maximumf %add3A_530, %max3A_532 : vector<16xf32>
        %swap3A_534 = arith.index_cast %scan3A_420 : i32 to index
        %swap3A_535 = arith.constant 96 : index
        %swap3A_536 = tpu.vector_load %arg16[%swap3A_534, %swap3A_535] {strides = array<i32>} : memref<64x128xf32, #tpu.memory_space<vmem>>, vector<1x16xf32>,
        %swap3A_537 = vector.shape_cast %swap3A_536 : vector<1x16xf32> to vector<16xf32>
        %swap3A_538 = vector.shape_cast %max3A_533 : vector<16xf32> to vector<1x16xf32>
        tpu.vector_store %arg16[%swap3A_534, %swap3A_535], %swap3A_538 {strides = array<i32>} : memref<64x128xf32, #tpu.memory_space<vmem>>, vector<1x16xf32>,
        %get3A_539 = arith.index_cast %scan3A_420 : i32 to index
        %get3A_540 = arith.constant 112 : index
        %get3A_541 = tpu.vector_load %arg16[%get3A_539, %get3A_540] {strides = array<i32>} : memref<64x128xf32, #tpu.memory_space<vmem>>, vector<1x16xf32>,
        %get3A_542 = vector.shape_cast %get3A_541 : vector<1x16xf32> to vector<16xf32>
        %get3A_543 = arith.index_cast %scan3A_420 : i32 to index
        %get3A_544 = arith.constant 112 : index
        %get3A_545 = tpu.vector_load %arg18[%get3A_543, %get3A_544] {strides = array<i32>} : memref<64x128xf32, #tpu.memory_space<vmem>>, vector<1x16xf32>,
        %get3A_546 = vector.shape_cast %get3A_545 : vector<1x16xf32> to vector<16xf32>
        %add3A_547 = arith.addf %get3A_542, %get3A_546 : vector<16xf32>
        %max3A_548 = arith.constant 0.000000e+00 : f32
        %max3A_549 = vector.broadcast %max3A_548 : f32 to vector<16xf32>
        %max3A_550 = arith.maximumf %add3A_547, %max3A_549 : vector<16xf32>
        %swap3A_551 = arith.index_cast %scan3A_420 : i32 to index
        %swap3A_552 = arith.constant 112 : index
        %swap3A_553 = tpu.vector_load %arg16[%swap3A_551, %swap3A_552] {strides = array<i32>} : memref<64x128xf32, #tpu.memory_space<vmem>>, vector<1x16xf32>,
        %swap3A_554 = vector.shape_cast %swap3A_553 : vector<1x16xf32> to vector<16xf32>
        %swap3A_555 = vector.shape_cast %max3A_550 : vector<16xf32> to vector<1x16xf32>
        tpu.vector_store %arg16[%swap3A_551, %swap3A_552], %swap3A_555 {strides = array<i32>} : memref<64x128xf32, #tpu.memory_space<vmem>>, vector<1x16xf32>,
      }
      %scan3A_236 = arith.constant 64 : i32
      %add3A_237 = arith.constant 1 : i32
      %add3A_238 = arith.addi %mul3A_204, %add3A_237 : i32
      %dma_wait3A_239 = tpu.memref_slice %arg4[%mul3A_7] : memref<321536xi32, #tpu.memory_space<hbm>> -> memref<64xi32, #tpu.memory_space<hbm>>
      %dma_wait3A_240 = tpu.memref_slice %arg4[%mul3A_7] : memref<321536xi32, #tpu.memory_space<hbm>> -> memref<64xi32, #tpu.memory_space<hbm>>
      tpu.wait_dma2 semaphore(%arg21 : memref<!tpu.dma_semaphore, #tpu.memory_space<semaphore_mem>>) src(%dma_wait3A_240 : memref<64xi32, #tpu.memory_space<hbm>>) dst(%arg9 : memref<64xi32, #tpu.memory_space<vmem>>)
      %dma_wait3A_241 = tpu.memref_slice %arg5[%mul3A_7] : memref<321536xi32, #tpu.memory_space<hbm>> -> memref<64xi32, #tpu.memory_space<hbm>>
      %dma_wait3A_242 = tpu.memref_slice %arg5[%mul3A_7] : memref<321536xi32, #tpu.memory_space<hbm>> -> memref<64xi32, #tpu.memory_space<hbm>>
      tpu.wait_dma2 semaphore(%arg23 : memref<!tpu.dma_semaphore, #tpu.memory_space<semaphore_mem>>) src(%dma_wait3A_242 : memref<64xi32, #tpu.memory_space<hbm>>) dst(%arg11 : memref<64xi32, #tpu.memory_space<vmem>>)
      %mul3A_243 = arith.constant 64 : i32
      %mul3A_244 = arith.muli %add3A_238, %mul3A_243 : i32
      %get3A_245 = arith.constant 0 : index
      %get3A_246 = tpu.vector_load %arg9[%get3A_245] {strides = array<i32>} : memref<64xi32, #tpu.memory_space<vmem>>, vector<16xi32>,
      %get3A_247 = vector.shape_cast %get3A_246 : vector<16xi32> to vector<16xi32>
      %get3A_248 = arith.constant 0 : index
      %get3A_249 = tpu.vector_load %arg11[%get3A_248] {strides = array<i32>} : memref<64xi32, #tpu.memory_space<vmem>>, vector<16xi32>,
      %get3A_250 = vector.shape_cast %get3A_249 : vector<16xi32> to vector<16xi32>
      %gt3A_251 = arith.cmpi sgt, %get3A_250, %get3A_247 : vector<16xi32>
      %add3A_252 = arith.constant 10000 : i32
      %add3A_253 = vector.broadcast %add3A_252 : i32 to vector<16xi32>
      %add3A_254 = arith.addi %get3A_250, %add3A_253 : vector<16xi32>
      %select_n3A_255 = arith.select %gt3A_251, %add3A_254, %get3A_250 : vector<16xi1>, vector<16xi32>
      %swap3A_256 = arith.constant 0 : index
      %swap3A_257 = tpu.vector_load %arg13[%swap3A_256] {strides = array<i32>} : memref<64xi32, #tpu.memory_space<vmem>>, vector<16xi32>,
      %swap3A_258 = vector.shape_cast %swap3A_257 : vector<16xi32> to vector<16xi32>
      %swap3A_259 = vector.shape_cast %select_n3A_255 : vector<16xi32> to vector<16xi32>
      tpu.vector_store %arg13[%swap3A_256], %swap3A_259 {strides = array<i32>} : memref<64xi32, #tpu.memory_space<vmem>>, vector<16xi32>,
      %sub3A_260 = arith.subi %get3A_250, %get3A_247 : vector<16xi32>
      %mul3A_261 = vector.broadcast %sub3A_10 : i32 to vector<16xi32>
      %mul3A_262 = arith.muli %sub3A_260, %mul3A_261 : vector<16xi32>
      %gt3A_263 = arith.constant 0 : i32
      %gt3A_264 = vector.broadcast %gt3A_263 : i32 to vector<16xi32>
      %gt3A_265 = arith.cmpi sgt, %mul3A_262, %gt3A_264 : vector<16xi32>
      %add3A_266 = arith.constant 0 : i32
      %add3A_267 = arith.addi %mul3A_244, %add3A_266 : i32
      %iota3A_268 = tpu.iota {dimensions = array<i32: 0>} : vector<16xi32>
      %add3A_269 = vector.broadcast %add3A_267 : i32 to vector<16xi32>
      %add3A_270 = arith.addi %add3A_269, %iota3A_268 : vector<16xi32>
      %and3A_271 = arith.constant 31 : i32
      %and3A_272 = vector.broadcast %and3A_271 : i32 to vector<16xi32>
      %and3A_273 = arith.andi %add3A_270, %and3A_272 : vector<16xi32>
      %add3A_274 = arith.constant 10000 : i32
      %add3A_275 = vector.broadcast %add3A_274 : i32 to vector<16xi32>
      %add3A_276 = arith.addi %add3A_275, %and3A_273 : vector<16xi32>
      %select_n3A_277 = arith.select %gt3A_265, %get3A_247, %add3A_276 : vector<16xi1>, vector<16xi32>
      %swap3A_278 = arith.constant 0 : index
      %swap3A_279 = tpu.vector_load %arg15[%swap3A_278] {strides = array<i32>} : memref<64xi32, #tpu.memory_space<vmem>>, vector<16xi32>,
      %swap3A_280 = vector.shape_cast %swap3A_279 : vector<16xi32> to vector<16xi32>
      %swap3A_281 = vector.shape_cast %select_n3A_277 : vector<16xi32> to vector<16xi32>
      tpu.vector_store %arg15[%swap3A_278], %swap3A_281 {strides = array<i32>} : memref<64xi32, #tpu.memory_space<vmem>>, vector<16xi32>,
      %get3A_282 = arith.constant 16 : index
      %get3A_283 = tpu.vector_load %arg9[%get3A_282] {strides = array<i32>} : memref<64xi32, #tpu.memory_space<vmem>>, vector<16xi32>,
      %get3A_284 = vector.shape_cast %get3A_283 : vector<16xi32> to vector<16xi32>
      %get3A_285 = arith.constant 16 : index
      %get3A_286 = tpu.vector_load %arg11[%get3A_285] {strides = array<i32>} : memref<64xi32, #tpu.memory_space<vmem>>, vector<16xi32>,
      %get3A_287 = vector.shape_cast %get3A_286 : vector<16xi32> to vector<16xi32>
      %gt3A_288 = arith.cmpi sgt, %get3A_287, %get3A_284 : vector<16xi32>
      %add3A_289 = arith.constant 10000 : i32
      %add3A_290 = vector.broadcast %add3A_289 : i32 to vector<16xi32>
      %add3A_291 = arith.addi %get3A_287, %add3A_290 : vector<16xi32>
      %select_n3A_292 = arith.select %gt3A_288, %add3A_291, %get3A_287 : vector<16xi1>, vector<16xi32>
      %swap3A_293 = arith.constant 16 : index
      %swap3A_294 = tpu.vector_load %arg13[%swap3A_293] {strides = array<i32>} : memref<64xi32, #tpu.memory_space<vmem>>, vector<16xi32>,
      %swap3A_295 = vector.shape_cast %swap3A_294 : vector<16xi32> to vector<16xi32>
      %swap3A_296 = vector.shape_cast %select_n3A_292 : vector<16xi32> to vector<16xi32>
      tpu.vector_store %arg13[%swap3A_293], %swap3A_296 {strides = array<i32>} : memref<64xi32, #tpu.memory_space<vmem>>, vector<16xi32>,
      %sub3A_297 = arith.subi %get3A_287, %get3A_284 : vector<16xi32>
      %mul3A_298 = vector.broadcast %sub3A_10 : i32 to vector<16xi32>
      %mul3A_299 = arith.muli %sub3A_297, %mul3A_298 : vector<16xi32>
      %gt3A_300 = arith.constant 0 : i32
      %gt3A_301 = vector.broadcast %gt3A_300 : i32 to vector<16xi32>
      %gt3A_302 = arith.cmpi sgt, %mul3A_299, %gt3A_301 : vector<16xi32>
      %add3A_303 = arith.constant 16 : i32
      %add3A_304 = arith.addi %mul3A_244, %add3A_303 : i32
      %iota3A_305 = tpu.iota {dimensions = array<i32: 0>} : vector<16xi32>
      %add3A_306 = vector.broadcast %add3A_304 : i32 to vector<16xi32>
      %add3A_307 = arith.addi %add3A_306, %iota3A_305 : vector<16xi32>
      %and3A_308 = arith.constant 31 : i32
      %and3A_309 = vector.broadcast %and3A_308 : i32 to vector<16xi32>
      %and3A_310 = arith.andi %add3A_307, %and3A_309 : vector<16xi32>
      %add3A_311 = arith.constant 10000 : i32
      %add3A_312 = vector.broadcast %add3A_311 : i32 to vector<16xi32>
      %add3A_313 = arith.addi %add3A_312, %and3A_310 : vector<16xi32>
      %select_n3A_314 = arith.select %gt3A_302, %get3A_284, %add3A_313 : vector<16xi1>, vector<16xi32>
      %swap3A_315 = arith.constant 16 : index
      %swap3A_316 = tpu.vector_load %arg15[%swap3A_315] {strides = array<i32>} : memref<64xi32, #tpu.memory_space<vmem>>, vector<16xi32>,
      %swap3A_317 = vector.shape_cast %swap3A_316 : vector<16xi32> to vector<16xi32>
      %swap3A_318 = vector.shape_cast %select_n3A_314 : vector<16xi32> to vector<16xi32>
      tpu.vector_store %arg15[%swap3A_315], %swap3A_318 {strides = array<i32>} : memref<64xi32, #tpu.memory_space<vmem>>, vector<16xi32>,
      %get3A_319 = arith.constant 32 : index
      %get3A_320 = tpu.vector_load %arg9[%get3A_319] {strides = array<i32>} : memref<64xi32, #tpu.memory_space<vmem>>, vector<16xi32>,
      %get3A_321 = vector.shape_cast %get3A_320 : vector<16xi32> to vector<16xi32>
      %get3A_322 = arith.constant 32 : index
      %get3A_323 = tpu.vector_load %arg11[%get3A_322] {strides = array<i32>} : memref<64xi32, #tpu.memory_space<vmem>>, vector<16xi32>,
      %get3A_324 = vector.shape_cast %get3A_323 : vector<16xi32> to vector<16xi32>
      %gt3A_325 = arith.cmpi sgt, %get3A_324, %get3A_321 : vector<16xi32>
      %add3A_326 = arith.constant 10000 : i32
      %add3A_327 = vector.broadcast %add3A_326 : i32 to vector<16xi32>
      %add3A_328 = arith.addi %get3A_324, %add3A_327 : vector<16xi32>
      %select_n3A_329 = arith.select %gt3A_325, %add3A_328, %get3A_324 : vector<16xi1>, vector<16xi32>
      %swap3A_330 = arith.constant 32 : index
      %swap3A_331 = tpu.vector_load %arg13[%swap3A_330] {strides = array<i32>} : memref<64xi32, #tpu.memory_space<vmem>>, vector<16xi32>,
      %swap3A_332 = vector.shape_cast %swap3A_331 : vector<16xi32> to vector<16xi32>
      %swap3A_333 = vector.shape_cast %select_n3A_329 : vector<16xi32> to vector<16xi32>
      tpu.vector_store %arg13[%swap3A_330], %swap3A_333 {strides = array<i32>} : memref<64xi32, #tpu.memory_space<vmem>>, vector<16xi32>,
      %sub3A_334 = arith.subi %get3A_324, %get3A_321 : vector<16xi32>
      %mul3A_335 = vector.broadcast %sub3A_10 : i32 to vector<16xi32>
      %mul3A_336 = arith.muli %sub3A_334, %mul3A_335 : vector<16xi32>
      %gt3A_337 = arith.constant 0 : i32
      %gt3A_338 = vector.broadcast %gt3A_337 : i32 to vector<16xi32>
      %gt3A_339 = arith.cmpi sgt, %mul3A_336, %gt3A_338 : vector<16xi32>
      %add3A_340 = arith.constant 32 : i32
      %add3A_341 = arith.addi %mul3A_244, %add3A_340 : i32
      %iota3A_342 = tpu.iota {dimensions = array<i32: 0>} : vector<16xi32>
      %add3A_343 = vector.broadcast %add3A_341 : i32 to vector<16xi32>
      %add3A_344 = arith.addi %add3A_343, %iota3A_342 : vector<16xi32>
      %and3A_345 = arith.constant 31 : i32
      %and3A_346 = vector.broadcast %and3A_345 : i32 to vector<16xi32>
      %and3A_347 = arith.andi %add3A_344, %and3A_346 : vector<16xi32>
      %add3A_348 = arith.constant 10000 : i32
      %add3A_349 = vector.broadcast %add3A_348 : i32 to vector<16xi32>
      %add3A_350 = arith.addi %add3A_349, %and3A_347 : vector<16xi32>
      %select_n3A_351 = arith.select %gt3A_339, %get3A_321, %add3A_350 : vector<16xi1>, vector<16xi32>
      %swap3A_352 = arith.constant 32 : index
      %swap3A_353 = tpu.vector_load %arg15[%swap3A_352] {strides = array<i32>} : memref<64xi32, #tpu.memory_space<vmem>>, vector<16xi32>,
      %swap3A_354 = vector.shape_cast %swap3A_353 : vector<16xi32> to vector<16xi32>
      %swap3A_355 = vector.shape_cast %select_n3A_351 : vector<16xi32> to vector<16xi32>
      tpu.vector_store %arg15[%swap3A_352], %swap3A_355 {strides = array<i32>} : memref<64xi32, #tpu.memory_space<vmem>>, vector<16xi32>,
      %get3A_356 = arith.constant 48 : index
      %get3A_357 = tpu.vector_load %arg9[%get3A_356] {strides = array<i32>} : memref<64xi32, #tpu.memory_space<vmem>>, vector<16xi32>,
      %get3A_358 = vector.shape_cast %get3A_357 : vector<16xi32> to vector<16xi32>
      %get3A_359 = arith.constant 48 : index
      %get3A_360 = tpu.vector_load %arg11[%get3A_359] {strides = array<i32>} : memref<64xi32, #tpu.memory_space<vmem>>, vector<16xi32>,
      %get3A_361 = vector.shape_cast %get3A_360 : vector<16xi32> to vector<16xi32>
      %gt3A_362 = arith.cmpi sgt, %get3A_361, %get3A_358 : vector<16xi32>
      %add3A_363 = arith.constant 10000 : i32
      %add3A_364 = vector.broadcast %add3A_363 : i32 to vector<16xi32>
      %add3A_365 = arith.addi %get3A_361, %add3A_364 : vector<16xi32>
      %select_n3A_366 = arith.select %gt3A_362, %add3A_365, %get3A_361 : vector<16xi1>, vector<16xi32>
      %swap3A_367 = arith.constant 48 : index
      %swap3A_368 = tpu.vector_load %arg13[%swap3A_367] {strides = array<i32>} : memref<64xi32, #tpu.memory_space<vmem>>, vector<16xi32>,
      %swap3A_369 = vector.shape_cast %swap3A_368 : vector<16xi32> to vector<16xi32>
      %swap3A_370 = vector.shape_cast %select_n3A_366 : vector<16xi32> to vector<16xi32>
      tpu.vector_store %arg13[%swap3A_367], %swap3A_370 {strides = array<i32>} : memref<64xi32, #tpu.memory_space<vmem>>, vector<16xi32>,
      %sub3A_371 = arith.subi %get3A_361, %get3A_358 : vector<16xi32>
      %mul3A_372 = vector.broadcast %sub3A_10 : i32 to vector<16xi32>
      %mul3A_373 = arith.muli %sub3A_371, %mul3A_372 : vector<16xi32>
      %gt3A_374 = arith.constant 0 : i32
      %gt3A_375 = vector.broadcast %gt3A_374 : i32 to vector<16xi32>
      %gt3A_376 = arith.cmpi sgt, %mul3A_373, %gt3A_375 : vector<16xi32>
      %add3A_377 = arith.constant 48 : i32
      %add3A_378 = arith.addi %mul3A_244, %add3A_377 : i32
      %iota3A_379 = tpu.iota {dimensions = array<i32: 0>} : vector<16xi32>
      %add3A_380 = vector.broadcast %add3A_378 : i32 to vector<16xi32>
      %add3A_381 = arith.addi %add3A_380, %iota3A_379 : vector<16xi32>
      %and3A_382 = arith.constant 31 : i32
      %and3A_383 = vector.broadcast %and3A_382 : i32 to vector<16xi32>
      %and3A_384 = arith.andi %add3A_381, %and3A_383 : vector<16xi32>
      %add3A_385 = arith.constant 10000 : i32
      %add3A_386 = vector.broadcast %add3A_385 : i32 to vector<16xi32>
      %add3A_387 = arith.addi %add3A_386, %and3A_384 : vector<16xi32>
      %select_n3A_388 = arith.select %gt3A_376, %get3A_358, %add3A_387 : vector<16xi1>, vector<16xi32>
      %swap3A_389 = arith.constant 48 : index
      %swap3A_390 = tpu.vector_load %arg15[%swap3A_389] {strides = array<i32>} : memref<64xi32, #tpu.memory_space<vmem>>, vector<16xi32>,
      %swap3A_391 = vector.shape_cast %swap3A_390 : vector<16xi32> to vector<16xi32>
      %swap3A_392 = vector.shape_cast %select_n3A_388 : vector<16xi32> to vector<16xi32>
      tpu.vector_store %arg15[%swap3A_389], %swap3A_392 {strides = array<i32>} : memref<64xi32, #tpu.memory_space<vmem>>, vector<16xi32>,
      %dma_start3A_393 = arith.constant 0 : i32
      %dma_start3A_394 = arith.constant 0 : i32
      %dma_start3A_395 = tpu.memref_slice %arg2[%dma_start3A_393, %dma_start3A_394] : memref<20000x128xf32, #tpu.memory_space<hbm>> -> memref<20000x128xf32, #tpu.memory_space<hbm>>
      tpu.enqueue_indirect_dma source(%dma_start3A_395 : memref<20000x128xf32, #tpu.memory_space<hbm>>) target(%arg19 : memref<64x128xf32, #tpu.memory_space<vmem>>) offsets(%arg13 : memref<64xi32, #tpu.memory_space<vmem>>) semaphore(%arg27 : memref<!tpu.dma_semaphore, #tpu.memory_space<semaphore_mem>>)
      "tpu.region"() ({
        %run_scoped3A = tpu.sem_alloc : memref<!tpu.dma_semaphore, #tpu.memory_space<semaphore_mem>>
        %dma_start3A_420 = arith.constant 0 : i32
        %dma_start3A_421 = arith.constant 0 : i32
        %dma_start3A_422 = tpu.memref_slice %arg7[%dma_start3A_420, %dma_start3A_421] : memref<10032x128xf32, #tpu.memory_space<vmem_shared>> -> memref<10032x128xf32, #tpu.memory_space<vmem_shared>>
        tpu.enqueue_indirect_dma source(%arg16 : memref<64x128xf32, #tpu.memory_space<vmem>>) target(%dma_start3A_422 : memref<10032x128xf32, #tpu.memory_space<vmem_shared>>) offsets(%arg14 : memref<64xi32, #tpu.memory_space<vmem>>) semaphore(%run_scoped3A : memref<!tpu.dma_semaphore, #tpu.memory_space<semaphore_mem>>) {add = true}
        %dma_wait3A_423 = arith.constant 0 : i32
        %dma_wait3A_424 = arith.constant 0 : i32
        %dma_wait3A_425 = tpu.memref_slice %arg7[%dma_wait3A_423, %dma_wait3A_424] : memref<10032x128xf32, #tpu.memory_space<vmem_shared>> -> memref<10032x128xf32, #tpu.memory_space<vmem_shared>>
        tpu.wait_indirect_dma semaphore(%run_scoped3A : memref<!tpu.dma_semaphore, #tpu.memory_space<semaphore_mem>>) src(%arg16 : memref<64x128xf32, #tpu.memory_space<vmem>>) dst(%dma_wait3A_425 : memref<10032x128xf32, #tpu.memory_space<vmem_shared>>)
        tpu.yield
      }) : () -> ()
      %add3A_396 = arith.constant 2 : i32
      %add3A_397 = arith.addi %mul3A_204, %add3A_396 : i32
      %lt3A = arith.constant 314 : i32
      %lt3A_398 = arith.cmpi slt, %add3A_397, %lt3A : i32
      %convert_element_type3A = arith.extui %lt3A_398 : i1 to i32
      %cond3A = arith.constant 0 : i32
      %cond3A_399 = arith.cmpi ne, %convert_element_type3A, %cond3A : i32
      scf.if %cond3A_399 {
        %add3A_420 = arith.constant 2 : i32
        %add3A_421 = arith.addi %mul3A_204, %add3A_420 : i32
        %mul3A_422 = arith.constant 64 : i32
        %mul3A_423 = arith.muli %add3A_421, %mul3A_422 : i32
        %add3A_424 = arith.addi %mul3A_7, %mul3A_423 : i32
        %dma_start3A_425 = tpu.memref_slice %arg4[%add3A_424] : memref<321536xi32, #tpu.memory_space<hbm>> -> memref<64xi32, #tpu.memory_space<hbm>>
        %dma_start3A_426 = tpu.memref_slice %arg4[%add3A_424] : memref<321536xi32, #tpu.memory_space<hbm>> -> memref<64xi32, #tpu.memory_space<hbm>>
        tpu.enqueue_dma source(%dma_start3A_426 : memref<64xi32, #tpu.memory_space<hbm>>) target(%arg8 : memref<64xi32, #tpu.memory_space<vmem>>) target_semaphore(%arg20 : memref<!tpu.dma_semaphore, #tpu.memory_space<semaphore_mem>>)
        %mul3A_427 = arith.constant 64 : i32
        %mul3A_428 = arith.muli %add3A_421, %mul3A_427 : i32
        %add3A_429 = arith.addi %mul3A_7, %mul3A_428 : i32
        %dma_start3A_430 = tpu.memref_slice %arg5[%add3A_429] : memref<321536xi32, #tpu.memory_space<hbm>> -> memref<64xi32, #tpu.memory_space<hbm>>
        %dma_start3A_431 = tpu.memref_slice %arg5[%add3A_429] : memref<321536xi32, #tpu.memory_space<hbm>> -> memref<64xi32, #tpu.memory_space<hbm>>
        tpu.enqueue_dma source(%dma_start3A_431 : memref<64xi32, #tpu.memory_space<hbm>>) target(%arg10 : memref<64xi32, #tpu.memory_space<vmem>>) target_semaphore(%arg22 : memref<!tpu.dma_semaphore, #tpu.memory_space<semaphore_mem>>)
        %mul3A_432 = arith.constant 64 : i32
        %mul3A_433 = arith.muli %add3A_421, %mul3A_432 : i32
        %add3A_434 = arith.addi %mul3A_7, %mul3A_433 : i32
        %dma_start3A_435 = arith.constant 0 : i32
        %dma_start3A_436 = tpu.memref_slice %arg3[%add3A_434, %dma_start3A_435] : memref<321536x128xf32, #tpu.memory_space<hbm>> -> memref<64x128xf32, #tpu.memory_space<hbm>>
        %dma_start3A_437 = arith.constant 0 : i32
        %dma_start3A_438 = tpu.memref_slice %arg3[%add3A_434, %dma_start3A_437] : memref<321536x128xf32, #tpu.memory_space<hbm>> -> memref<64x128xf32, #tpu.memory_space<hbm>>
        tpu.enqueue_dma source(%dma_start3A_438 : memref<64x128xf32, #tpu.memory_space<hbm>>) target(%arg16 : memref<64x128xf32, #tpu.memory_space<vmem>>) target_semaphore(%arg24 : memref<!tpu.dma_semaphore, #tpu.memory_space<semaphore_mem>>)
      } else {
      }
      %dma_wait3A_400 = arith.constant 0 : i32
      %dma_wait3A_401 = tpu.memref_slice %arg3[%mul3A_7, %dma_wait3A_400] : memref<321536x128xf32, #tpu.memory_space<hbm>> -> memref<64x128xf32, #tpu.memory_space<hbm>>
      %dma_wait3A_402 = arith.constant 0 : i32
      %dma_wait3A_403 = tpu.memref_slice %arg3[%mul3A_7, %dma_wait3A_402] : memref<321536x128xf32, #tpu.memory_space<hbm>> -> memref<64x128xf32, #tpu.memory_space<hbm>>
      tpu.wait_dma2 semaphore(%arg25 : memref<!tpu.dma_semaphore, #tpu.memory_space<semaphore_mem>>) src(%dma_wait3A_403 : memref<64x128xf32, #tpu.memory_space<hbm>>) dst(%arg17 : memref<64x128xf32, #tpu.memory_space<vmem>>)
      %dma_wait3A_404 = arith.constant 0 : i32
      %dma_wait3A_405 = arith.constant 0 : i32
      %dma_wait3A_406 = tpu.memref_slice %arg2[%dma_wait3A_404, %dma_wait3A_405] : memref<20000x128xf32, #tpu.memory_space<hbm>> -> memref<20000x128xf32, #tpu.memory_space<hbm>>
      tpu.wait_indirect_dma semaphore(%arg27 : memref<!tpu.dma_semaphore, #tpu.memory_space<semaphore_mem>>) src(%dma_wait3A_406 : memref<20000x128xf32, #tpu.memory_space<hbm>>) dst(%arg19 : memref<64x128xf32, #tpu.memory_space<vmem>>)
      %scan3A_407 = arith.constant 0 : i32
      %scan3A_408 = arith.constant 0 : i32
      %scan3A_409 = arith.constant 64 : i32
      %scan3A_410 = arith.addi %scan3A_408, %scan3A_409 : i32
      %scan3A_411 = arith.constant 1 : i32
      scf.for %scan3A_420 = %scan3A_408 to %scan3A_410 step %scan3A_411  : i32 {
        %get3A_421 = arith.index_cast %scan3A_420 : i32 to index
        %get3A_422 = arith.constant 0 : index
        %get3A_423 = tpu.vector_load %arg17[%get3A_421, %get3A_422] {strides = array<i32>} : memref<64x128xf32, #tpu.memory_space<vmem>>, vector<1x16xf32>,
        %get3A_424 = vector.shape_cast %get3A_423 : vector<1x16xf32> to vector<16xf32>
        %get3A_425 = arith.index_cast %scan3A_420 : i32 to index
        %get3A_426 = arith.constant 0 : index
        %get3A_427 = tpu.vector_load %arg19[%get3A_425, %get3A_426] {strides = array<i32>} : memref<64x128xf32, #tpu.memory_space<vmem>>, vector<1x16xf32>,
        %get3A_428 = vector.shape_cast %get3A_427 : vector<1x16xf32> to vector<16xf32>
        %add3A_429 = arith.addf %get3A_424, %get3A_428 : vector<16xf32>
        %max3A = arith.constant 0.000000e+00 : f32
        %max3A_430 = vector.broadcast %max3A : f32 to vector<16xf32>
        %max3A_431 = arith.maximumf %add3A_429, %max3A_430 : vector<16xf32>
        %swap3A_432 = arith.index_cast %scan3A_420 : i32 to index
        %swap3A_433 = arith.constant 0 : index
        %swap3A_434 = tpu.vector_load %arg17[%swap3A_432, %swap3A_433] {strides = array<i32>} : memref<64x128xf32, #tpu.memory_space<vmem>>, vector<1x16xf32>,
        %swap3A_435 = vector.shape_cast %swap3A_434 : vector<1x16xf32> to vector<16xf32>
        %swap3A_436 = vector.shape_cast %max3A_431 : vector<16xf32> to vector<1x16xf32>
        tpu.vector_store %arg17[%swap3A_432, %swap3A_433], %swap3A_436 {strides = array<i32>} : memref<64x128xf32, #tpu.memory_space<vmem>>, vector<1x16xf32>,
        %get3A_437 = arith.index_cast %scan3A_420 : i32 to index
        %get3A_438 = arith.constant 16 : index
        %get3A_439 = tpu.vector_load %arg17[%get3A_437, %get3A_438] {strides = array<i32>} : memref<64x128xf32, #tpu.memory_space<vmem>>, vector<1x16xf32>,
        %get3A_440 = vector.shape_cast %get3A_439 : vector<1x16xf32> to vector<16xf32>
        %get3A_441 = arith.index_cast %scan3A_420 : i32 to index
        %get3A_442 = arith.constant 16 : index
        %get3A_443 = tpu.vector_load %arg19[%get3A_441, %get3A_442] {strides = array<i32>} : memref<64x128xf32, #tpu.memory_space<vmem>>, vector<1x16xf32>,
        %get3A_444 = vector.shape_cast %get3A_443 : vector<1x16xf32> to vector<16xf32>
        %add3A_445 = arith.addf %get3A_440, %get3A_444 : vector<16xf32>
        %max3A_446 = arith.constant 0.000000e+00 : f32
        %max3A_447 = vector.broadcast %max3A_446 : f32 to vector<16xf32>
        %max3A_448 = arith.maximumf %add3A_445, %max3A_447 : vector<16xf32>
        %swap3A_449 = arith.index_cast %scan3A_420 : i32 to index
        %swap3A_450 = arith.constant 16 : index
        %swap3A_451 = tpu.vector_load %arg17[%swap3A_449, %swap3A_450] {strides = array<i32>} : memref<64x128xf32, #tpu.memory_space<vmem>>, vector<1x16xf32>,
        %swap3A_452 = vector.shape_cast %swap3A_451 : vector<1x16xf32> to vector<16xf32>
        %swap3A_453 = vector.shape_cast %max3A_448 : vector<16xf32> to vector<1x16xf32>
        tpu.vector_store %arg17[%swap3A_449, %swap3A_450], %swap3A_453 {strides = array<i32>} : memref<64x128xf32, #tpu.memory_space<vmem>>, vector<1x16xf32>,
        %get3A_454 = arith.index_cast %scan3A_420 : i32 to index
        %get3A_455 = arith.constant 32 : index
        %get3A_456 = tpu.vector_load %arg17[%get3A_454, %get3A_455] {strides = array<i32>} : memref<64x128xf32, #tpu.memory_space<vmem>>, vector<1x16xf32>,
        %get3A_457 = vector.shape_cast %get3A_456 : vector<1x16xf32> to vector<16xf32>
        %get3A_458 = arith.index_cast %scan3A_420 : i32 to index
        %get3A_459 = arith.constant 32 : index
        %get3A_460 = tpu.vector_load %arg19[%get3A_458, %get3A_459] {strides = array<i32>} : memref<64x128xf32, #tpu.memory_space<vmem>>, vector<1x16xf32>,
        %get3A_461 = vector.shape_cast %get3A_460 : vector<1x16xf32> to vector<16xf32>
        %add3A_462 = arith.addf %get3A_457, %get3A_461 : vector<16xf32>
        %max3A_463 = arith.constant 0.000000e+00 : f32
        %max3A_464 = vector.broadcast %max3A_463 : f32 to vector<16xf32>
        %max3A_465 = arith.maximumf %add3A_462, %max3A_464 : vector<16xf32>
        %swap3A_466 = arith.index_cast %scan3A_420 : i32 to index
        %swap3A_467 = arith.constant 32 : index
        %swap3A_468 = tpu.vector_load %arg17[%swap3A_466, %swap3A_467] {strides = array<i32>} : memref<64x128xf32, #tpu.memory_space<vmem>>, vector<1x16xf32>,
        %swap3A_469 = vector.shape_cast %swap3A_468 : vector<1x16xf32> to vector<16xf32>
        %swap3A_470 = vector.shape_cast %max3A_465 : vector<16xf32> to vector<1x16xf32>
        tpu.vector_store %arg17[%swap3A_466, %swap3A_467], %swap3A_470 {strides = array<i32>} : memref<64x128xf32, #tpu.memory_space<vmem>>, vector<1x16xf32>,
        %get3A_471 = arith.index_cast %scan3A_420 : i32 to index
        %get3A_472 = arith.constant 48 : index
        %get3A_473 = tpu.vector_load %arg17[%get3A_471, %get3A_472] {strides = array<i32>} : memref<64x128xf32, #tpu.memory_space<vmem>>, vector<1x16xf32>,
        %get3A_474 = vector.shape_cast %get3A_473 : vector<1x16xf32> to vector<16xf32>
        %get3A_475 = arith.index_cast %scan3A_420 : i32 to index
        %get3A_476 = arith.constant 48 : index
        %get3A_477 = tpu.vector_load %arg19[%get3A_475, %get3A_476] {strides = array<i32>} : memref<64x128xf32, #tpu.memory_space<vmem>>, vector<1x16xf32>,
        %get3A_478 = vector.shape_cast %get3A_477 : vector<1x16xf32> to vector<16xf32>
        %add3A_479 = arith.addf %get3A_474, %get3A_478 : vector<16xf32>
        %max3A_480 = arith.constant 0.000000e+00 : f32
        %max3A_481 = vector.broadcast %max3A_480 : f32 to vector<16xf32>
        %max3A_482 = arith.maximumf %add3A_479, %max3A_481 : vector<16xf32>
        %swap3A_483 = arith.index_cast %scan3A_420 : i32 to index
        %swap3A_484 = arith.constant 48 : index
        %swap3A_485 = tpu.vector_load %arg17[%swap3A_483, %swap3A_484] {strides = array<i32>} : memref<64x128xf32, #tpu.memory_space<vmem>>, vector<1x16xf32>,
        %swap3A_486 = vector.shape_cast %swap3A_485 : vector<1x16xf32> to vector<16xf32>
        %swap3A_487 = vector.shape_cast %max3A_482 : vector<16xf32> to vector<1x16xf32>
        tpu.vector_store %arg17[%swap3A_483, %swap3A_484], %swap3A_487 {strides = array<i32>} : memref<64x128xf32, #tpu.memory_space<vmem>>, vector<1x16xf32>,
        %get3A_488 = arith.index_cast %scan3A_420 : i32 to index
        %get3A_489 = arith.constant 64 : index
        %get3A_490 = tpu.vector_load %arg17[%get3A_488, %get3A_489] {strides = array<i32>} : memref<64x128xf32, #tpu.memory_space<vmem>>, vector<1x16xf32>,
        %get3A_491 = vector.shape_cast %get3A_490 : vector<1x16xf32> to vector<16xf32>
        %get3A_492 = arith.index_cast %scan3A_420 : i32 to index
        %get3A_493 = arith.constant 64 : index
        %get3A_494 = tpu.vector_load %arg19[%get3A_492, %get3A_493] {strides = array<i32>} : memref<64x128xf32, #tpu.memory_space<vmem>>, vector<1x16xf32>,
        %get3A_495 = vector.shape_cast %get3A_494 : vector<1x16xf32> to vector<16xf32>
        %add3A_496 = arith.addf %get3A_491, %get3A_495 : vector<16xf32>
        %max3A_497 = arith.constant 0.000000e+00 : f32
        %max3A_498 = vector.broadcast %max3A_497 : f32 to vector<16xf32>
        %max3A_499 = arith.maximumf %add3A_496, %max3A_498 : vector<16xf32>
        %swap3A_500 = arith.index_cast %scan3A_420 : i32 to index
        %swap3A_501 = arith.constant 64 : index
        %swap3A_502 = tpu.vector_load %arg17[%swap3A_500, %swap3A_501] {strides = array<i32>} : memref<64x128xf32, #tpu.memory_space<vmem>>, vector<1x16xf32>,
        %swap3A_503 = vector.shape_cast %swap3A_502 : vector<1x16xf32> to vector<16xf32>
        %swap3A_504 = vector.shape_cast %max3A_499 : vector<16xf32> to vector<1x16xf32>
        tpu.vector_store %arg17[%swap3A_500, %swap3A_501], %swap3A_504 {strides = array<i32>} : memref<64x128xf32, #tpu.memory_space<vmem>>, vector<1x16xf32>,
        %get3A_505 = arith.index_cast %scan3A_420 : i32 to index
        %get3A_506 = arith.constant 80 : index
        %get3A_507 = tpu.vector_load %arg17[%get3A_505, %get3A_506] {strides = array<i32>} : memref<64x128xf32, #tpu.memory_space<vmem>>, vector<1x16xf32>,
        %get3A_508 = vector.shape_cast %get3A_507 : vector<1x16xf32> to vector<16xf32>
        %get3A_509 = arith.index_cast %scan3A_420 : i32 to index
        %get3A_510 = arith.constant 80 : index
        %get3A_511 = tpu.vector_load %arg19[%get3A_509, %get3A_510] {strides = array<i32>} : memref<64x128xf32, #tpu.memory_space<vmem>>, vector<1x16xf32>,
        %get3A_512 = vector.shape_cast %get3A_511 : vector<1x16xf32> to vector<16xf32>
        %add3A_513 = arith.addf %get3A_508, %get3A_512 : vector<16xf32>
        %max3A_514 = arith.constant 0.000000e+00 : f32
        %max3A_515 = vector.broadcast %max3A_514 : f32 to vector<16xf32>
        %max3A_516 = arith.maximumf %add3A_513, %max3A_515 : vector<16xf32>
        %swap3A_517 = arith.index_cast %scan3A_420 : i32 to index
        %swap3A_518 = arith.constant 80 : index
        %swap3A_519 = tpu.vector_load %arg17[%swap3A_517, %swap3A_518] {strides = array<i32>} : memref<64x128xf32, #tpu.memory_space<vmem>>, vector<1x16xf32>,
        %swap3A_520 = vector.shape_cast %swap3A_519 : vector<1x16xf32> to vector<16xf32>
        %swap3A_521 = vector.shape_cast %max3A_516 : vector<16xf32> to vector<1x16xf32>
        tpu.vector_store %arg17[%swap3A_517, %swap3A_518], %swap3A_521 {strides = array<i32>} : memref<64x128xf32, #tpu.memory_space<vmem>>, vector<1x16xf32>,
        %get3A_522 = arith.index_cast %scan3A_420 : i32 to index
        %get3A_523 = arith.constant 96 : index
        %get3A_524 = tpu.vector_load %arg17[%get3A_522, %get3A_523] {strides = array<i32>} : memref<64x128xf32, #tpu.memory_space<vmem>>, vector<1x16xf32>,
        %get3A_525 = vector.shape_cast %get3A_524 : vector<1x16xf32> to vector<16xf32>
        %get3A_526 = arith.index_cast %scan3A_420 : i32 to index
        %get3A_527 = arith.constant 96 : index
        %get3A_528 = tpu.vector_load %arg19[%get3A_526, %get3A_527] {strides = array<i32>} : memref<64x128xf32, #tpu.memory_space<vmem>>, vector<1x16xf32>,
        %get3A_529 = vector.shape_cast %get3A_528 : vector<1x16xf32> to vector<16xf32>
        %add3A_530 = arith.addf %get3A_525, %get3A_529 : vector<16xf32>
        %max3A_531 = arith.constant 0.000000e+00 : f32
        %max3A_532 = vector.broadcast %max3A_531 : f32 to vector<16xf32>
        %max3A_533 = arith.maximumf %add3A_530, %max3A_532 : vector<16xf32>
        %swap3A_534 = arith.index_cast %scan3A_420 : i32 to index
        %swap3A_535 = arith.constant 96 : index
        %swap3A_536 = tpu.vector_load %arg17[%swap3A_534, %swap3A_535] {strides = array<i32>} : memref<64x128xf32, #tpu.memory_space<vmem>>, vector<1x16xf32>,
        %swap3A_537 = vector.shape_cast %swap3A_536 : vector<1x16xf32> to vector<16xf32>
        %swap3A_538 = vector.shape_cast %max3A_533 : vector<16xf32> to vector<1x16xf32>
        tpu.vector_store %arg17[%swap3A_534, %swap3A_535], %swap3A_538 {strides = array<i32>} : memref<64x128xf32, #tpu.memory_space<vmem>>, vector<1x16xf32>,
        %get3A_539 = arith.index_cast %scan3A_420 : i32 to index
        %get3A_540 = arith.constant 112 : index
        %get3A_541 = tpu.vector_load %arg17[%get3A_539, %get3A_540] {strides = array<i32>} : memref<64x128xf32, #tpu.memory_space<vmem>>, vector<1x16xf32>,
        %get3A_542 = vector.shape_cast %get3A_541 : vector<1x16xf32> to vector<16xf32>
        %get3A_543 = arith.index_cast %scan3A_420 : i32 to index
        %get3A_544 = arith.constant 112 : index
        %get3A_545 = tpu.vector_load %arg19[%get3A_543, %get3A_544] {strides = array<i32>} : memref<64x128xf32, #tpu.memory_space<vmem>>, vector<1x16xf32>,
        %get3A_546 = vector.shape_cast %get3A_545 : vector<1x16xf32> to vector<16xf32>
        %add3A_547 = arith.addf %get3A_542, %get3A_546 : vector<16xf32>
        %max3A_548 = arith.constant 0.000000e+00 : f32
        %max3A_549 = vector.broadcast %max3A_548 : f32 to vector<16xf32>
        %max3A_550 = arith.maximumf %add3A_547, %max3A_549 : vector<16xf32>
        %swap3A_551 = arith.index_cast %scan3A_420 : i32 to index
        %swap3A_552 = arith.constant 112 : index
        %swap3A_553 = tpu.vector_load %arg17[%swap3A_551, %swap3A_552] {strides = array<i32>} : memref<64x128xf32, #tpu.memory_space<vmem>>, vector<1x16xf32>,
        %swap3A_554 = vector.shape_cast %swap3A_553 : vector<1x16xf32> to vector<16xf32>
        %swap3A_555 = vector.shape_cast %max3A_550 : vector<16xf32> to vector<1x16xf32>
        tpu.vector_store %arg17[%swap3A_551, %swap3A_552], %swap3A_555 {strides = array<i32>} : memref<64x128xf32, #tpu.memory_space<vmem>>, vector<1x16xf32>,
      }
      %scan3A_412 = arith.constant 64 : i32
      %add3A_413 = arith.constant 2 : i32
      %add3A_414 = arith.addi %mul3A_204, %add3A_413 : i32
      %lt3A_415 = arith.constant 314 : i32
      %lt3A_416 = arith.cmpi slt, %add3A_414, %lt3A_415 : i32
      %convert_element_type3A_417 = arith.extui %lt3A_416 : i1 to i32
      %cond3A_418 = arith.constant 0 : i32
      %cond3A_419 = arith.cmpi ne, %convert_element_type3A_417, %cond3A_418 : i32
      scf.if %cond3A_419 {
        %add3A_420 = arith.constant 2 : i32
        %add3A_421 = arith.addi %mul3A_204, %add3A_420 : i32
        %dma_wait3A_422 = tpu.memref_slice %arg4[%mul3A_7] : memref<321536xi32, #tpu.memory_space<hbm>> -> memref<64xi32, #tpu.memory_space<hbm>>
        %dma_wait3A_423 = tpu.memref_slice %arg4[%mul3A_7] : memref<321536xi32, #tpu.memory_space<hbm>> -> memref<64xi32, #tpu.memory_space<hbm>>
        tpu.wait_dma2 semaphore(%arg20 : memref<!tpu.dma_semaphore, #tpu.memory_space<semaphore_mem>>) src(%dma_wait3A_423 : memref<64xi32, #tpu.memory_space<hbm>>) dst(%arg8 : memref<64xi32, #tpu.memory_space<vmem>>)
        %dma_wait3A_424 = tpu.memref_slice %arg5[%mul3A_7] : memref<321536xi32, #tpu.memory_space<hbm>> -> memref<64xi32, #tpu.memory_space<hbm>>
        %dma_wait3A_425 = tpu.memref_slice %arg5[%mul3A_7] : memref<321536xi32, #tpu.memory_space<hbm>> -> memref<64xi32, #tpu.memory_space<hbm>>
        tpu.wait_dma2 semaphore(%arg22 : memref<!tpu.dma_semaphore, #tpu.memory_space<semaphore_mem>>) src(%dma_wait3A_425 : memref<64xi32, #tpu.memory_space<hbm>>) dst(%arg10 : memref<64xi32, #tpu.memory_space<vmem>>)
        %mul3A_426 = arith.constant 64 : i32
        %mul3A_427 = arith.muli %add3A_421, %mul3A_426 : i32
        %get3A_428 = arith.constant 0 : index
        %get3A_429 = tpu.vector_load %arg8[%get3A_428] {strides = array<i32>} : memref<64xi32, #tpu.memory_space<vmem>>, vector<16xi32>,
        %get3A_430 = vector.shape_cast %get3A_429 : vector<16xi32> to vector<16xi32>
        %get3A_431 = arith.constant 0 : index
        %get3A_432 = tpu.vector_load %arg10[%get3A_431] {strides = array<i32>} : memref<64xi32, #tpu.memory_space<vmem>>, vector<16xi32>,
        %get3A_433 = vector.shape_cast %get3A_432 : vector<16xi32> to vector<16xi32>
        %gt3A_434 = arith.cmpi sgt, %get3A_433, %get3A_430 : vector<16xi32>
        %add3A_435 = arith.constant 10000 : i32
        %add3A_436 = vector.broadcast %add3A_435 : i32 to vector<16xi32>
        %add3A_437 = arith.addi %get3A_433, %add3A_436 : vector<16xi32>
        %select_n3A_438 = arith.select %gt3A_434, %add3A_437, %get3A_433 : vector<16xi1>, vector<16xi32>
        %swap3A_439 = arith.constant 0 : index
        %swap3A_440 = tpu.vector_load %arg12[%swap3A_439] {strides = array<i32>} : memref<64xi32, #tpu.memory_space<vmem>>, vector<16xi32>,
        %swap3A_441 = vector.shape_cast %swap3A_440 : vector<16xi32> to vector<16xi32>
        %swap3A_442 = vector.shape_cast %select_n3A_438 : vector<16xi32> to vector<16xi32>
        tpu.vector_store %arg12[%swap3A_439], %swap3A_442 {strides = array<i32>} : memref<64xi32, #tpu.memory_space<vmem>>, vector<16xi32>,
        %sub3A_443 = arith.subi %get3A_433, %get3A_430 : vector<16xi32>
        %mul3A_444 = vector.broadcast %sub3A_10 : i32 to vector<16xi32>
        %mul3A_445 = arith.muli %sub3A_443, %mul3A_444 : vector<16xi32>
        %gt3A_446 = arith.constant 0 : i32
        %gt3A_447 = vector.broadcast %gt3A_446 : i32 to vector<16xi32>
        %gt3A_448 = arith.cmpi sgt, %mul3A_445, %gt3A_447 : vector<16xi32>
        %add3A_449 = arith.constant 0 : i32
        %add3A_450 = arith.addi %mul3A_427, %add3A_449 : i32
        %iota3A_451 = tpu.iota {dimensions = array<i32: 0>} : vector<16xi32>
        %add3A_452 = vector.broadcast %add3A_450 : i32 to vector<16xi32>
        %add3A_453 = arith.addi %add3A_452, %iota3A_451 : vector<16xi32>
        %and3A_454 = arith.constant 31 : i32
        %and3A_455 = vector.broadcast %and3A_454 : i32 to vector<16xi32>
        %and3A_456 = arith.andi %add3A_453, %and3A_455 : vector<16xi32>
        %add3A_457 = arith.constant 10000 : i32
        %add3A_458 = vector.broadcast %add3A_457 : i32 to vector<16xi32>
        %add3A_459 = arith.addi %add3A_458, %and3A_456 : vector<16xi32>
        %select_n3A_460 = arith.select %gt3A_448, %get3A_430, %add3A_459 : vector<16xi1>, vector<16xi32>
        %swap3A_461 = arith.constant 0 : index
        %swap3A_462 = tpu.vector_load %arg14[%swap3A_461] {strides = array<i32>} : memref<64xi32, #tpu.memory_space<vmem>>, vector<16xi32>,
        %swap3A_463 = vector.shape_cast %swap3A_462 : vector<16xi32> to vector<16xi32>
        %swap3A_464 = vector.shape_cast %select_n3A_460 : vector<16xi32> to vector<16xi32>
        tpu.vector_store %arg14[%swap3A_461], %swap3A_464 {strides = array<i32>} : memref<64xi32, #tpu.memory_space<vmem>>, vector<16xi32>,
        %get3A_465 = arith.constant 16 : index
        %get3A_466 = tpu.vector_load %arg8[%get3A_465] {strides = array<i32>} : memref<64xi32, #tpu.memory_space<vmem>>, vector<16xi32>,
        %get3A_467 = vector.shape_cast %get3A_466 : vector<16xi32> to vector<16xi32>
        %get3A_468 = arith.constant 16 : index
        %get3A_469 = tpu.vector_load %arg10[%get3A_468] {strides = array<i32>} : memref<64xi32, #tpu.memory_space<vmem>>, vector<16xi32>,
        %get3A_470 = vector.shape_cast %get3A_469 : vector<16xi32> to vector<16xi32>
        %gt3A_471 = arith.cmpi sgt, %get3A_470, %get3A_467 : vector<16xi32>
        %add3A_472 = arith.constant 10000 : i32
        %add3A_473 = vector.broadcast %add3A_472 : i32 to vector<16xi32>
        %add3A_474 = arith.addi %get3A_470, %add3A_473 : vector<16xi32>
        %select_n3A_475 = arith.select %gt3A_471, %add3A_474, %get3A_470 : vector<16xi1>, vector<16xi32>
        %swap3A_476 = arith.constant 16 : index
        %swap3A_477 = tpu.vector_load %arg12[%swap3A_476] {strides = array<i32>} : memref<64xi32, #tpu.memory_space<vmem>>, vector<16xi32>,
        %swap3A_478 = vector.shape_cast %swap3A_477 : vector<16xi32> to vector<16xi32>
        %swap3A_479 = vector.shape_cast %select_n3A_475 : vector<16xi32> to vector<16xi32>
        tpu.vector_store %arg12[%swap3A_476], %swap3A_479 {strides = array<i32>} : memref<64xi32, #tpu.memory_space<vmem>>, vector<16xi32>,
        %sub3A_480 = arith.subi %get3A_470, %get3A_467 : vector<16xi32>
        %mul3A_481 = vector.broadcast %sub3A_10 : i32 to vector<16xi32>
        %mul3A_482 = arith.muli %sub3A_480, %mul3A_481 : vector<16xi32>
        %gt3A_483 = arith.constant 0 : i32
        %gt3A_484 = vector.broadcast %gt3A_483 : i32 to vector<16xi32>
        %gt3A_485 = arith.cmpi sgt, %mul3A_482, %gt3A_484 : vector<16xi32>
        %add3A_486 = arith.constant 16 : i32
        %add3A_487 = arith.addi %mul3A_427, %add3A_486 : i32
        %iota3A_488 = tpu.iota {dimensions = array<i32: 0>} : vector<16xi32>
        %add3A_489 = vector.broadcast %add3A_487 : i32 to vector<16xi32>
        %add3A_490 = arith.addi %add3A_489, %iota3A_488 : vector<16xi32>
        %and3A_491 = arith.constant 31 : i32
        %and3A_492 = vector.broadcast %and3A_491 : i32 to vector<16xi32>
        %and3A_493 = arith.andi %add3A_490, %and3A_492 : vector<16xi32>
        %add3A_494 = arith.constant 10000 : i32
        %add3A_495 = vector.broadcast %add3A_494 : i32 to vector<16xi32>
        %add3A_496 = arith.addi %add3A_495, %and3A_493 : vector<16xi32>
        %select_n3A_497 = arith.select %gt3A_485, %get3A_467, %add3A_496 : vector<16xi1>, vector<16xi32>
        %swap3A_498 = arith.constant 16 : index
        %swap3A_499 = tpu.vector_load %arg14[%swap3A_498] {strides = array<i32>} : memref<64xi32, #tpu.memory_space<vmem>>, vector<16xi32>,
        %swap3A_500 = vector.shape_cast %swap3A_499 : vector<16xi32> to vector<16xi32>
        %swap3A_501 = vector.shape_cast %select_n3A_497 : vector<16xi32> to vector<16xi32>
        tpu.vector_store %arg14[%swap3A_498], %swap3A_501 {strides = array<i32>} : memref<64xi32, #tpu.memory_space<vmem>>, vector<16xi32>,
        %get3A_502 = arith.constant 32 : index
        %get3A_503 = tpu.vector_load %arg8[%get3A_502] {strides = array<i32>} : memref<64xi32, #tpu.memory_space<vmem>>, vector<16xi32>,
        %get3A_504 = vector.shape_cast %get3A_503 : vector<16xi32> to vector<16xi32>
        %get3A_505 = arith.constant 32 : index
        %get3A_506 = tpu.vector_load %arg10[%get3A_505] {strides = array<i32>} : memref<64xi32, #tpu.memory_space<vmem>>, vector<16xi32>,
        %get3A_507 = vector.shape_cast %get3A_506 : vector<16xi32> to vector<16xi32>
        %gt3A_508 = arith.cmpi sgt, %get3A_507, %get3A_504 : vector<16xi32>
        %add3A_509 = arith.constant 10000 : i32
        %add3A_510 = vector.broadcast %add3A_509 : i32 to vector<16xi32>
        %add3A_511 = arith.addi %get3A_507, %add3A_510 : vector<16xi32>
        %select_n3A_512 = arith.select %gt3A_508, %add3A_511, %get3A_507 : vector<16xi1>, vector<16xi32>
        %swap3A_513 = arith.constant 32 : index
        %swap3A_514 = tpu.vector_load %arg12[%swap3A_513] {strides = array<i32>} : memref<64xi32, #tpu.memory_space<vmem>>, vector<16xi32>,
        %swap3A_515 = vector.shape_cast %swap3A_514 : vector<16xi32> to vector<16xi32>
        %swap3A_516 = vector.shape_cast %select_n3A_512 : vector<16xi32> to vector<16xi32>
        tpu.vector_store %arg12[%swap3A_513], %swap3A_516 {strides = array<i32>} : memref<64xi32, #tpu.memory_space<vmem>>, vector<16xi32>,
        %sub3A_517 = arith.subi %get3A_507, %get3A_504 : vector<16xi32>
        %mul3A_518 = vector.broadcast %sub3A_10 : i32 to vector<16xi32>
        %mul3A_519 = arith.muli %sub3A_517, %mul3A_518 : vector<16xi32>
        %gt3A_520 = arith.constant 0 : i32
        %gt3A_521 = vector.broadcast %gt3A_520 : i32 to vector<16xi32>
        %gt3A_522 = arith.cmpi sgt, %mul3A_519, %gt3A_521 : vector<16xi32>
        %add3A_523 = arith.constant 32 : i32
        %add3A_524 = arith.addi %mul3A_427, %add3A_523 : i32
        %iota3A_525 = tpu.iota {dimensions = array<i32: 0>} : vector<16xi32>
        %add3A_526 = vector.broadcast %add3A_524 : i32 to vector<16xi32>
        %add3A_527 = arith.addi %add3A_526, %iota3A_525 : vector<16xi32>
        %and3A_528 = arith.constant 31 : i32
        %and3A_529 = vector.broadcast %and3A_528 : i32 to vector<16xi32>
        %and3A_530 = arith.andi %add3A_527, %and3A_529 : vector<16xi32>
        %add3A_531 = arith.constant 10000 : i32
        %add3A_532 = vector.broadcast %add3A_531 : i32 to vector<16xi32>
        %add3A_533 = arith.addi %add3A_532, %and3A_530 : vector<16xi32>
        %select_n3A_534 = arith.select %gt3A_522, %get3A_504, %add3A_533 : vector<16xi1>, vector<16xi32>
        %swap3A_535 = arith.constant 32 : index
        %swap3A_536 = tpu.vector_load %arg14[%swap3A_535] {strides = array<i32>} : memref<64xi32, #tpu.memory_space<vmem>>, vector<16xi32>,
        %swap3A_537 = vector.shape_cast %swap3A_536 : vector<16xi32> to vector<16xi32>
        %swap3A_538 = vector.shape_cast %select_n3A_534 : vector<16xi32> to vector<16xi32>
        tpu.vector_store %arg14[%swap3A_535], %swap3A_538 {strides = array<i32>} : memref<64xi32, #tpu.memory_space<vmem>>, vector<16xi32>,
        %get3A_539 = arith.constant 48 : index
        %get3A_540 = tpu.vector_load %arg8[%get3A_539] {strides = array<i32>} : memref<64xi32, #tpu.memory_space<vmem>>, vector<16xi32>,
        %get3A_541 = vector.shape_cast %get3A_540 : vector<16xi32> to vector<16xi32>
        %get3A_542 = arith.constant 48 : index
        %get3A_543 = tpu.vector_load %arg10[%get3A_542] {strides = array<i32>} : memref<64xi32, #tpu.memory_space<vmem>>, vector<16xi32>,
        %get3A_544 = vector.shape_cast %get3A_543 : vector<16xi32> to vector<16xi32>
        %gt3A_545 = arith.cmpi sgt, %get3A_544, %get3A_541 : vector<16xi32>
        %add3A_546 = arith.constant 10000 : i32
        %add3A_547 = vector.broadcast %add3A_546 : i32 to vector<16xi32>
        %add3A_548 = arith.addi %get3A_544, %add3A_547 : vector<16xi32>
        %select_n3A_549 = arith.select %gt3A_545, %add3A_548, %get3A_544 : vector<16xi1>, vector<16xi32>
        %swap3A_550 = arith.constant 48 : index
        %swap3A_551 = tpu.vector_load %arg12[%swap3A_550] {strides = array<i32>} : memref<64xi32, #tpu.memory_space<vmem>>, vector<16xi32>,
        %swap3A_552 = vector.shape_cast %swap3A_551 : vector<16xi32> to vector<16xi32>
        %swap3A_553 = vector.shape_cast %select_n3A_549 : vector<16xi32> to vector<16xi32>
        tpu.vector_store %arg12[%swap3A_550], %swap3A_553 {strides = array<i32>} : memref<64xi32, #tpu.memory_space<vmem>>, vector<16xi32>,
        %sub3A_554 = arith.subi %get3A_544, %get3A_541 : vector<16xi32>
        %mul3A_555 = vector.broadcast %sub3A_10 : i32 to vector<16xi32>
        %mul3A_556 = arith.muli %sub3A_554, %mul3A_555 : vector<16xi32>
        %gt3A_557 = arith.constant 0 : i32
        %gt3A_558 = vector.broadcast %gt3A_557 : i32 to vector<16xi32>
        %gt3A_559 = arith.cmpi sgt, %mul3A_556, %gt3A_558 : vector<16xi32>
        %add3A_560 = arith.constant 48 : i32
        %add3A_561 = arith.addi %mul3A_427, %add3A_560 : i32
        %iota3A_562 = tpu.iota {dimensions = array<i32: 0>} : vector<16xi32>
        %add3A_563 = vector.broadcast %add3A_561 : i32 to vector<16xi32>
        %add3A_564 = arith.addi %add3A_563, %iota3A_562 : vector<16xi32>
        %and3A_565 = arith.constant 31 : i32
        %and3A_566 = vector.broadcast %and3A_565 : i32 to vector<16xi32>
        %and3A_567 = arith.andi %add3A_564, %and3A_566 : vector<16xi32>
        %add3A_568 = arith.constant 10000 : i32
        %add3A_569 = vector.broadcast %add3A_568 : i32 to vector<16xi32>
        %add3A_570 = arith.addi %add3A_569, %and3A_567 : vector<16xi32>
        %select_n3A_571 = arith.select %gt3A_559, %get3A_541, %add3A_570 : vector<16xi1>, vector<16xi32>
        %swap3A_572 = arith.constant 48 : index
        %swap3A_573 = tpu.vector_load %arg14[%swap3A_572] {strides = array<i32>} : memref<64xi32, #tpu.memory_space<vmem>>, vector<16xi32>,
        %swap3A_574 = vector.shape_cast %swap3A_573 : vector<16xi32> to vector<16xi32>
        %swap3A_575 = vector.shape_cast %select_n3A_571 : vector<16xi32> to vector<16xi32>
        tpu.vector_store %arg14[%swap3A_572], %swap3A_575 {strides = array<i32>} : memref<64xi32, #tpu.memory_space<vmem>>, vector<16xi32>,
        %dma_start3A_576 = arith.constant 0 : i32
        %dma_start3A_577 = arith.constant 0 : i32
        %dma_start3A_578 = tpu.memref_slice %arg2[%dma_start3A_576, %dma_start3A_577] : memref<20000x128xf32, #tpu.memory_space<hbm>> -> memref<20000x128xf32, #tpu.memory_space<hbm>>
        tpu.enqueue_indirect_dma source(%dma_start3A_578 : memref<20000x128xf32, #tpu.memory_space<hbm>>) target(%arg18 : memref<64x128xf32, #tpu.memory_space<vmem>>) offsets(%arg12 : memref<64xi32, #tpu.memory_space<vmem>>) semaphore(%arg26 : memref<!tpu.dma_semaphore, #tpu.memory_space<semaphore_mem>>)
      } else {
      }
      "tpu.region"() ({
        %run_scoped3A = tpu.sem_alloc : memref<!tpu.dma_semaphore, #tpu.memory_space<semaphore_mem>>
        %dma_start3A_420 = arith.constant 0 : i32
        %dma_start3A_421 = arith.constant 0 : i32
        %dma_start3A_422 = tpu.memref_slice %arg7[%dma_start3A_420, %dma_start3A_421] : memref<10032x128xf32, #tpu.memory_space<vmem_shared>> -> memref<10032x128xf32, #tpu.memory_space<vmem_shared>>
        tpu.enqueue_indirect_dma source(%arg17 : memref<64x128xf32, #tpu.memory_space<vmem>>) target(%dma_start3A_422 : memref<10032x128xf32, #tpu.memory_space<vmem_shared>>) offsets(%arg15 : memref<64xi32, #tpu.memory_space<vmem>>) semaphore(%run_scoped3A : memref<!tpu.dma_semaphore, #tpu.memory_space<semaphore_mem>>) {add = true}
        %dma_wait3A_423 = arith.constant 0 : i32
        %dma_wait3A_424 = arith.constant 0 : i32
        %dma_wait3A_425 = tpu.memref_slice %arg7[%dma_wait3A_423, %dma_wait3A_424] : memref<10032x128xf32, #tpu.memory_space<vmem_shared>> -> memref<10032x128xf32, #tpu.memory_space<vmem_shared>>
        tpu.wait_indirect_dma semaphore(%run_scoped3A : memref<!tpu.dma_semaphore, #tpu.memory_space<semaphore_mem>>) src(%arg17 : memref<64x128xf32, #tpu.memory_space<vmem>>) dst(%dma_wait3A_425 : memref<10032x128xf32, #tpu.memory_space<vmem_shared>>)
        tpu.yield
      }) : () -> ()
    }
    %scan3A_197 = arith.constant 157 : i32
    %barrier3A_198 = arith.constant 0 : index
    tpu.barrier barrier_id(%barrier3A_198)
    %mul3A_199 = arith.constant 10000 : i32
    %mul3A_200 = arith.muli %arg0, %mul3A_199 : i32
    %add3A_201 = arith.addi %mul3A_200, %min3A_5 : i32
    "tpu.region"() ({
      %run_scoped3A = tpu.sem_alloc : memref<!tpu.dma_semaphore, #tpu.memory_space<semaphore_mem>>
      %dma_start3A_202 = arith.constant 0 : i32
      %dma_start3A_203 = tpu.memref_slice %arg6[%add3A_201, %dma_start3A_202] : memref<20000x128xf32, #tpu.memory_space<hbm>> -> memref<632x128xf32, #tpu.memory_space<hbm>>
      %dma_start3A_204 = arith.constant 0 : i32
      %dma_start3A_205 = tpu.memref_slice %arg7[%min3A_5, %dma_start3A_204] : memref<10032x128xf32, #tpu.memory_space<vmem_shared>> -> memref<632x128xf32, #tpu.memory_space<vmem_shared>>
      tpu.enqueue_dma source(%dma_start3A_205 : memref<632x128xf32, #tpu.memory_space<vmem_shared>>) target(%dma_start3A_203 : memref<632x128xf32, #tpu.memory_space<hbm>>) target_semaphore(%run_scoped3A : memref<!tpu.dma_semaphore, #tpu.memory_space<semaphore_mem>>)
      %dma_wait3A_206 = arith.constant 0 : i32
      %dma_wait3A_207 = tpu.memref_slice %arg6[%add3A_201, %dma_wait3A_206] : memref<20000x128xf32, #tpu.memory_space<hbm>> -> memref<632x128xf32, #tpu.memory_space<hbm>>
      %dma_wait3A_208 = arith.constant 0 : i32
      %dma_wait3A_209 = tpu.memref_slice %arg7[%min3A_5, %dma_wait3A_208] : memref<10032x128xf32, #tpu.memory_space<vmem_shared>> -> memref<632x128xf32, #tpu.memory_space<vmem_shared>>
      tpu.wait_dma2 semaphore(%run_scoped3A : memref<!tpu.dma_semaphore, #tpu.memory_space<semaphore_mem>>) src(%dma_wait3A_209 : memref<632x128xf32, #tpu.memory_space<vmem_shared>>) dst(%dma_wait3A_207 : memref<632x128xf32, #tpu.memory_space<hbm>>)
      tpu.yield
    }) : () -> ()
    return
  }
}

module attributes {stable_mosaic.version = 14 : i64} {
  func.func @_tc_edge_body(%arg0: i32, %arg1: memref<512x16xf32, #tpu.memory_space<vmem>>, %arg2: memref<512x16xf32, #tpu.memory_space<vmem>>, %arg3: memref<16x128xf32, #tpu.memory_space<vmem>>, %arg4: memref<16x128xf32, #tpu.memory_space<vmem>>, %arg5: memref<512x128xf32, #tpu.memory_space<vmem>>) attributes {dimension_semantics = [#tpu.dimension_semantics<arbitrary>], iteration_bounds = array<i64: 628>, scalar_prefetch = 0 : i64, scratch_operands = 0 : i64, tpu.core_type = #tpu.core_type<tc>, window_params = [{transform_indices = @transform_0, window_bounds = array<i64: 512, 16>}, {transform_indices = @transform_1, window_bounds = array<i64: 512, 16>}, {pipeline_mode = #tpu.pipeline_mode<synchronous>, transform_indices = @transform_2, window_bounds = array<i64: 16, 128>}, {pipeline_mode = #tpu.pipeline_mode<synchronous>, transform_indices = @transform_3, window_bounds = array<i64: 16, 128>}, {transform_indices = @transform_4, window_bounds = array<i64: 512, 128>}]} {
    %get3A = arith.constant 0 : index
    %get3A_0 = arith.constant 0 : index
    %get3A_1 = vector.load %arg1[%get3A, %get3A_0] : memref<512x16xf32, #tpu.memory_space<vmem>>, vector<512x16xf32>
    %get3A_2 = arith.constant 0 : index
    %get3A_3 = arith.constant 0 : index
    %get3A_4 = vector.load %arg3[%get3A_2, %get3A_3] : memref<16x128xf32, #tpu.memory_space<vmem>>, vector<16x128xf32>
    %dot_general3A = arith.constant dense<0.000000e+00> : vector<512x128xf32>
    %dot_general3A_5 = tpu.matmul %get3A_1, %get3A_4, %dot_general3A {dimension_numbers = #tpu.dot_dimension_numbers<[1], [0], [0], [1], [0, 0, 1, 1], [], []>, transpose_lhs_hint = false} : vector<512x16xf32>, vector<16x128xf32>, vector<512x128xf32> -> vector<512x128xf32>
    %get3A_6 = arith.constant 0 : index
    %get3A_7 = arith.constant 0 : index
    %get3A_8 = vector.load %arg2[%get3A_6, %get3A_7] : memref<512x16xf32, #tpu.memory_space<vmem>>, vector<512x16xf32>
    %get3A_9 = arith.constant 0 : index
    %get3A_10 = arith.constant 0 : index
    %get3A_11 = vector.load %arg4[%get3A_9, %get3A_10] : memref<16x128xf32, #tpu.memory_space<vmem>>, vector<16x128xf32>
    %dot_general3A_12 = arith.constant dense<0.000000e+00> : vector<512x128xf32>
    %dot_general3A_13 = tpu.matmul %get3A_8, %get3A_11, %dot_general3A_12 {dimension_numbers = #tpu.dot_dimension_numbers<[1], [0], [0], [1], [0, 0, 1, 1], [], []>, transpose_lhs_hint = false} : vector<512x16xf32>, vector<16x128xf32>, vector<512x128xf32> -> vector<512x128xf32>
    %add3A = arith.addf %dot_general3A_5, %dot_general3A_13 : vector<512x128xf32>
    %swap3A = arith.constant 0 : index
    %swap3A_14 = arith.constant 0 : index
    %swap3A_15 = vector.load %arg5[%swap3A, %swap3A_14] : memref<512x128xf32, #tpu.memory_space<vmem>>, vector<512x128xf32>
    tpu.vector_store %arg5[%swap3A, %swap3A_14], %add3A {strides = array<i32>} : memref<512x128xf32, #tpu.memory_space<vmem>>, vector<512x128xf32>,
    return
  }
  func.func @transform_0(%arg0: i32) -> (i32, i32) {
    %min3A = arith.constant 624 : i32
    %min3A_0 = arith.minsi %arg0, %min3A : i32
    %c0_i32 = arith.constant 0 : i32
    %c0_i32_1 = arith.constant 0 : i32
    return %min3A_0, %c0_i32 : i32, i32
  }
  func.func @transform_1(%arg0: i32) -> (i32, i32) {
    %min3A = arith.constant 624 : i32
    %min3A_0 = arith.minsi %arg0, %min3A : i32
    %c0_i32 = arith.constant 0 : i32
    %c0_i32_1 = arith.constant 0 : i32
    return %min3A_0, %c0_i32 : i32, i32
  }
  func.func @transform_2(%arg0: i32) -> (i32, i32) {
    %c0_i32 = arith.constant 0 : i32
    %c0_i32_0 = arith.constant 0 : i32
    %c0_i32_1 = arith.constant 0 : i32
    return %c0_i32, %c0_i32_0 : i32, i32
  }
  func.func @transform_3(%arg0: i32) -> (i32, i32) {
    %c0_i32 = arith.constant 0 : i32
    %c0_i32_0 = arith.constant 0 : i32
    %c0_i32_1 = arith.constant 0 : i32
    return %c0_i32, %c0_i32_0 : i32, i32
  }
  func.func @transform_4(%arg0: i32) -> (i32, i32) {
    %c0_i32 = arith.constant 0 : i32
    %c0_i32_0 = arith.constant 0 : i32
    return %arg0, %c0_i32 : i32, i32
  }
}

module attributes {stable_mosaic.version = 14 : i64} {
  func.func @_tc_y2_body(%arg0: i32, %arg1: i32, %arg2: memref<1000x128xf32, #tpu.memory_space<vmem>>, %arg3: memref<1x128x128xf32, #tpu.memory_space<vmem>>, %arg4: memref<1x1x128xf32, #tpu.memory_space<vmem>>, %arg5: memref<1000x128xf32, #tpu.memory_space<vmem>>) attributes {dimension_semantics = [#tpu.dimension_semantics<arbitrary>, #tpu.dimension_semantics<arbitrary>], iteration_bounds = array<i64: 2, 10>, scalar_prefetch = 0 : i64, scratch_operands = 0 : i64, tpu.core_type = #tpu.core_type<tc>, window_params = [{transform_indices = @transform_0, window_bounds = array<i64: 1000, 128>}, {transform_indices = @transform_1, window_bounds = array<i64: 1, 128, 128>}, {transform_indices = @transform_2, window_bounds = array<i64: 1, 1, 128>}, {transform_indices = @transform_3, window_bounds = array<i64: 1000, 128>}]} {
    %get3A = arith.constant 0 : index
    %get3A_0 = arith.constant 0 : index
    %get3A_1 = vector.load %arg2[%get3A, %get3A_0] : memref<1000x128xf32, #tpu.memory_space<vmem>>, vector<1000x128xf32>
    %get3A_2 = arith.constant 0 : index
    %get3A_3 = arith.constant 0 : index
    %get3A_4 = arith.constant 0 : index
    %get3A_5 = vector.load %arg3[%get3A_2, %get3A_3, %get3A_4] : memref<1x128x128xf32, #tpu.memory_space<vmem>>, vector<1x128x128xf32>
    %get3A_6 = vector.shape_cast %get3A_5 : vector<1x128x128xf32> to vector<128x128xf32>
    %dot_general3A = arith.constant dense<0.000000e+00> : vector<1000x128xf32>
    %dot_general3A_7 = tpu.matmul %get3A_1, %get3A_6, %dot_general3A {dimension_numbers = #tpu.dot_dimension_numbers<[1], [0], [0], [1], [0, 0, 1, 1], [], []>, transpose_lhs_hint = false} : vector<1000x128xf32>, vector<128x128xf32>, vector<1000x128xf32> -> vector<1000x128xf32>
    %get3A_8 = arith.constant 0 : index
    %get3A_9 = arith.constant 0 : index
    %get3A_10 = arith.constant 0 : index
    %get3A_11 = vector.load %arg4[%get3A_8, %get3A_9, %get3A_10] : memref<1x1x128xf32, #tpu.memory_space<vmem>>, vector<1x1x128xf32>
    %get3A_12 = vector.shape_cast %get3A_11 : vector<1x1x128xf32> to vector<1x128xf32>
    %add3A = vector.broadcast %get3A_12 : vector<1x128xf32> to vector<1000x128xf32>
    %add3A_13 = arith.addf %dot_general3A_7, %add3A : vector<1000x128xf32>
    %swap3A = arith.constant 0 : index
    %swap3A_14 = arith.constant 0 : index
    %swap3A_15 = vector.load %arg5[%swap3A, %swap3A_14] : memref<1000x128xf32, #tpu.memory_space<vmem>>, vector<1000x128xf32>
    tpu.vector_store %arg5[%swap3A, %swap3A_14], %add3A_13 {strides = array<i32>} : memref<1000x128xf32, #tpu.memory_space<vmem>>, vector<1000x128xf32>,
    return
  }
  func.func @transform_0(%arg0: i32, %arg1: i32) -> (i32, i32) {
    %c0_i32 = arith.constant 0 : i32
    %c0_i32_0 = arith.constant 0 : i32
    return %arg1, %c0_i32 : i32, i32
  }
  func.func @transform_1(%arg0: i32, %arg1: i32) -> (i32, i32, i32) {
    %c0_i32 = arith.constant 0 : i32
    %c0_i32_0 = arith.constant 0 : i32
    %c0_i32_1 = arith.constant 0 : i32
    return %arg0, %c0_i32, %c0_i32_0 : i32, i32, i32
  }
  func.func @transform_2(%arg0: i32, %arg1: i32) -> (i32, i32, i32) {
    %c0_i32 = arith.constant 0 : i32
    %c0_i32_0 = arith.constant 0 : i32
    %c0_i32_1 = arith.constant 0 : i32
    return %arg0, %c0_i32, %c0_i32_0 : i32, i32, i32
  }
  func.func @transform_3(%arg0: i32, %arg1: i32) -> (i32, i32) {
    %mul3A = arith.constant 10 : i32
    %mul3A_0 = arith.muli %arg0, %mul3A : i32
    %add3A = arith.addi %mul3A_0, %arg1 : i32
    %c0_i32 = arith.constant 0 : i32
    %c0_i32_1 = arith.constant 0 : i32
    return %add3A, %c0_i32 : i32, i32
  }
}

module attributes {stable_mosaic.version = 14 : i64} {
  func.func @_tc_node_body(%arg0: i32, %arg1: memref<1000x128xf32, #tpu.memory_space<vmem>>, %arg2: memref<1000x128xf32, #tpu.memory_space<vmem>>, %arg3: memref<128x128xf32, #tpu.memory_space<vmem>>, %arg4: memref<128x128xf32, #tpu.memory_space<vmem>>, %arg5: memref<1x128xf32, #tpu.memory_space<vmem>>, %arg6: memref<1000x128xf32, #tpu.memory_space<vmem>>) attributes {dimension_semantics = [#tpu.dimension_semantics<arbitrary>], iteration_bounds = array<i64: 10>, scalar_prefetch = 0 : i64, scratch_operands = 0 : i64, tpu.core_type = #tpu.core_type<tc>, window_params = [{transform_indices = @transform_0, window_bounds = array<i64: 1000, 128>}, {transform_indices = @transform_1, window_bounds = array<i64: 1000, 128>}, {transform_indices = @transform_2, window_bounds = array<i64: 128, 128>}, {transform_indices = @transform_3, window_bounds = array<i64: 128, 128>}, {pipeline_mode = #tpu.pipeline_mode<synchronous>, transform_indices = @transform_4, window_bounds = array<i64: 1, 128>}, {transform_indices = @transform_5, window_bounds = array<i64: 1000, 128>}]} {
    %get3A = arith.constant 0 : index
    %get3A_0 = arith.constant 0 : index
    %get3A_1 = vector.load %arg1[%get3A, %get3A_0] : memref<1000x128xf32, #tpu.memory_space<vmem>>, vector<1000x128xf32>
    %get3A_2 = arith.constant 0 : index
    %get3A_3 = arith.constant 0 : index
    %get3A_4 = vector.load %arg3[%get3A_2, %get3A_3] : memref<128x128xf32, #tpu.memory_space<vmem>>, vector<128x128xf32>
    %dot_general3A = arith.constant dense<0.000000e+00> : vector<1000x128xf32>
    %dot_general3A_5 = tpu.matmul %get3A_1, %get3A_4, %dot_general3A {dimension_numbers = #tpu.dot_dimension_numbers<[1], [0], [0], [1], [0, 0, 1, 1], [], []>, transpose_lhs_hint = false} : vector<1000x128xf32>, vector<128x128xf32>, vector<1000x128xf32> -> vector<1000x128xf32>
    %get3A_6 = arith.constant 0 : index
    %get3A_7 = arith.constant 0 : index
    %get3A_8 = vector.load %arg2[%get3A_6, %get3A_7] : memref<1000x128xf32, #tpu.memory_space<vmem>>, vector<1000x128xf32>
    %get3A_9 = arith.constant 0 : index
    %get3A_10 = arith.constant 0 : index
    %get3A_11 = vector.load %arg4[%get3A_9, %get3A_10] : memref<128x128xf32, #tpu.memory_space<vmem>>, vector<128x128xf32>
    %dot_general3A_12 = arith.constant dense<0.000000e+00> : vector<1000x128xf32>
    %dot_general3A_13 = tpu.matmul %get3A_8, %get3A_11, %dot_general3A_12 {dimension_numbers = #tpu.dot_dimension_numbers<[1], [0], [0], [1], [0, 0, 1, 1], [], []>, transpose_lhs_hint = false} : vector<1000x128xf32>, vector<128x128xf32>, vector<1000x128xf32> -> vector<1000x128xf32>
    %add3A = arith.addf %dot_general3A_5, %dot_general3A_13 : vector<1000x128xf32>
    %get3A_14 = arith.constant 0 : index
    %get3A_15 = arith.constant 0 : index
    %get3A_16 = vector.load %arg5[%get3A_14, %get3A_15] : memref<1x128xf32, #tpu.memory_space<vmem>>, vector<1x128xf32>
    %add3A_17 = vector.broadcast %get3A_16 : vector<1x128xf32> to vector<1000x128xf32>
    %add3A_18 = arith.addf %add3A, %add3A_17 : vector<1000x128xf32>
    %max3A = arith.constant 0.000000e+00 : f32
    %max3A_19 = vector.broadcast %max3A : f32 to vector<1000x128xf32>
    %max3A_20 = arith.maximumf %add3A_18, %max3A_19 : vector<1000x128xf32>
    %swap3A = arith.constant 0 : index
    %swap3A_21 = arith.constant 0 : index
    %swap3A_22 = vector.load %arg6[%swap3A, %swap3A_21] : memref<1000x128xf32, #tpu.memory_space<vmem>>, vector<1000x128xf32>
    tpu.vector_store %arg6[%swap3A, %swap3A_21], %max3A_20 {strides = array<i32>} : memref<1000x128xf32, #tpu.memory_space<vmem>>, vector<1000x128xf32>,
    return
  }
  func.func @transform_0(%arg0: i32) -> (i32, i32) {
    %c0_i32 = arith.constant 0 : i32
    %c0_i32_0 = arith.constant 0 : i32
    return %arg0, %c0_i32 : i32, i32
  }
  func.func @transform_1(%arg0: i32) -> (i32, i32) {
    %add3A = arith.constant 10 : i32
    %add3A_0 = arith.addi %add3A, %arg0 : i32
    %c0_i32 = arith.constant 0 : i32
    %c0_i32_1 = arith.constant 0 : i32
    return %add3A_0, %c0_i32 : i32, i32
  }
  func.func @transform_2(%arg0: i32) -> (i32, i32) {
    %c0_i32 = arith.constant 0 : i32
    %c0_i32_0 = arith.constant 0 : i32
    %c0_i32_1 = arith.constant 0 : i32
    return %c0_i32, %c0_i32_0 : i32, i32
  }
  func.func @transform_3(%arg0: i32) -> (i32, i32) {
    %c1_i32 = arith.constant 1 : i32
    %c0_i32 = arith.constant 0 : i32
    %c0_i32_0 = arith.constant 0 : i32
    return %c1_i32, %c0_i32 : i32, i32
  }
  func.func @transform_4(%arg0: i32) -> (i32, i32) {
    %c0_i32 = arith.constant 0 : i32
    %c0_i32_0 = arith.constant 0 : i32
    %c0_i32_1 = arith.constant 0 : i32
    return %c0_i32, %c0_i32_0 : i32, i32
  }
  func.func @transform_5(%arg0: i32) -> (i32, i32) {
    %c0_i32 = arith.constant 0 : i32
    %c0_i32_0 = arith.constant 0 : i32
    return %arg0, %c0_i32 : i32, i32
  }
}

</mosaic_0001>

<sc_bundles>
// kernel: kernel.6.cloned.1.call-start
scs
__scs_entry_jumppad:
0x0: {  	(pc) =	sbr.rel $0x88, $3  }
0x1: {  	(tag) =	ssettag $0x0;
	lr =	simm.s32 $0x1  }
0x2: {  	[smem:$0x3F98] =	sst lr;
	_ =	strace $0xD0000000  }
0x3: {  	_ = 	snop  }
0x4: {  	_ = 	snop  }
0x5: {  	_ = 	snop  }
0x6: {  	_ = 	snop  }
0x7: {  	_ = 	snop  }
__scs_overlays_trampoline_lowered:
0x8: {  	[smem:$0x3FA7] =	sst s0  }
0x9: {  	[smem:$0x3FA8] =	sst s1  }
0xa: {  	[smem:$0x3FA9] =	sst s2  }
0xb: {  	[smem:$0x3FAA] =	sst s3  }
0xc: {  	[smem:$0x3FAB] =	sst s4  }
0xd: {  	[smem:$0x3FAC] =	sst s5  }
0xe: {  	[smem:$0x3FAD] =	sst s6  }
0xf: {  	[smem:$0x3FAE] =	sst s7  }
0x10: {  	[smem:$0x3FAF] =	sst s8  }
0x11: {  	[smem:$0x3FB0] =	sst s9;
	s0 =	simm.s32 @!p0 $0x0  }
0x12: {  	s1 =	sld [smem:$0x3F96];
	s0 =	simm.s32 @p0 $0x1  }
0x13: {  	[smem:$0x3FB1] =	sst s0;
	s0 =	simm.s32 @!p1 $0x0  }
0x14: {  	s2 =	sld [smem:$0x3F95];
	s0 =	simm.s32 @p1 $0x1  }
0x15: {  	[smem:$0x3FB2] =	sst s0;
	s0 =	simm.s32 @!p2 $0x0  }
0x16: {  	s3 =	sld [smem:$0x3FDB];
	s0 =	simm.s32 @p2 $0x1  }
0x17: {  	s4 =	simm.s32 $0x1BF5;
	[smem:$0x3FB4] =	sst s0  }
0x18: {  	s0 =	sld [smem:$0x3F97];
	_ =	swait.ge [sflag:s4], $0x0  }
0x19: {  	s7 =	sld [smem:$0x3F98]  }
0x1a: {  	s8 =	sadd.s32 $0xFFFFE003, lr  }
0x1b: {  	s9 =	sadd.s32 $0xFFFFFEF7, lr;
	s5 =	simm.s32 $0xFFFFFFFF;
	p2 =	slt.u32 s8, $0xFFFFF086  }
0x1c: {  	p1 =	slt.u32 s9, $0xF7A;
	s5 =	simm.s32 @!p2 $0x0  }
0x1d: {  	s5 =	simm.s32 @p1 $0x1;
	p0 =	seq.s32 s7, s2  }
0x1e: {  	s7 =	smul.u32 @!p0 $0xF7A, s2;
	p2 =	seq.s32 @!p0 s5, $0x0  }
0x1f: {  	s9 =	smul.u32 $0xF7A, s1;
	s8 =	simm.s32 @!p0 $0x1BF5;
	p2 =	por !p2, p0  }
0x20: {  	[sflag:s8] =	ssyncset.s32 @!p0 $0xFFFFF086;
	s6 =	sadd.s32 @!p0 s3, s7;
	s7 =	simm.s32 @!p0 $0x108  }
0x21: {  	s3 =	sadd.s32 s3, s9;
	s6 =	sadd.s32 @!p0 $0x88, s6;
	s7 =	simm.s32 @p2 $0x1082  }
0x22: {  	[simem:s7], [sflag:s8] =	dma.local @!p0 [hbm:s6], $0xF7A  }
0x23: {  	s9 =	sor.u32 $0xD0000000, s2;
	s6 =	simm.s32 $0x108;
	_ =	swait.ge @!p0 [sflag:s8], $0x0  }
0x24: {  	s3 =	sadd.s32 $0x88, s3;
	s6 =	simm.s32 @!p1 $0x1082;
	[sflag:s4] =	ssyncset.s32 $0xFFFFF086  }
0x25: {  	[simem:s6], [sflag:s4] =	dma.local [hbm:s3], $0xF7A  }
0x26: {  	[smem:$0x3F98] =	sst s1;
	(tag) =	ssettag s2;
	_ =	strace s9  }
0x27: {  	s1 =	sld [smem:$0x3FA8]  }
0x28: {  	s2 =	sld [smem:$0x3FA9]  }
0x29: {  	s4 =	sld [smem:$0x3FAB]  }
0x2a: {  	p0 =	seq.s32 s5, $0x0;
	s5 =	sld [smem:$0x3FAC]  }
0x2b: {  	s6 =	sld [smem:$0x3FAD]  }
0x2c: {  	s7 =	sld [smem:$0x3FAE]  }
0x2d: {  	s3 =	simm.s32 $0x108;
	s8 =	sld [smem:$0x3FAF]  }
0x2e: {  	s3 =	simm.s32 @!p0 $0x1082;
	s9 =	sld [smem:$0x3FB0]  }
0x2f: {  	lr =	sadd.s32 s0, s3;
	s0 =	sld [smem:$0x3FA7]  }
0x30: {  	s3 =	sld [smem:$0x3FAA]  }
0x31: {  	[smem:$0x3FB3] =	sst s10  }
0x32: {  	s10 =	sld [smem:$0x3FB1];
	_ =	sdelay $0x3  }
0x33: {  	p0 =	seq.s32 s10, $0x1;
	s10 =	sld [smem:$0x3FB3];
	_ =	sdelay $0x3  }
0x34: {  	[smem:$0x3FB3] =	sst s10  }
0x35: {  	s10 =	sld [smem:$0x3FB2];
	_ =	sdelay $0x3  }
0x36: {  	p1 =	seq.s32 s10, $0x1;
	s10 =	sld [smem:$0x3FB3];
	_ =	sdelay $0x3  }
0x37: {  	[smem:$0x3FB3] =	sst s10  }
0x38: {  	s10 =	sld [smem:$0x3FB4]  }
0x39: {  	_ = 	snop;
	(pc) =	sbr.ind lr, $3  }
0x3a: {  	_ = 	snop  }
0x3b: {  	_ = 	snop  }
0x3c: {  	p2 =	seq.s32 s10, $0x1;
	s10 =	sld [smem:$0x3FB3]  }
0x3d: {  	_ =	shalt  }
0x3e: {  	_ =	shalt  }
0x3f: {  	_ =	shalt  }
0x40: {  	_ =	shalt  }
0x41: {  	_ =	shalt  }
0x42: {  	_ =	shalt  }
0x43: {  	_ =	shalt  }
0x44: {  	_ =	shalt  }
0x45: {  	_ =	shalt  }
0x46: {  	_ =	shalt  }
0x47: {  	_ =	shalt  }
0x48: {  	_ =	shalt  }
0x49: {  	_ =	shalt  }
0x4a: {  	_ =	shalt  }
0x4b: {  	_ =	shalt  }
0x4c: {  	_ =	shalt  }
0x4d: {  	_ =	shalt  }
0x4e: {  	_ =	shalt  }
0x4f: {  	_ =	shalt  }
0x50: {  	_ =	shalt  }
0x51: {  	_ =	shalt  }
0x52: {  	_ =	shalt  }
0x53: {  	_ =	shalt  }
0x54: {  	_ =	shalt  }
0x55: {  	_ =	shalt  }
0x56: {  	_ =	shalt  }
0x57: {  	_ =	shalt  }
0x58: {  	_ =	shalt  }
0x59: {  	_ =	shalt  }
0x5a: {  	_ =	shalt  }
0x5b: {  	_ =	shalt  }
0x5c: {  	_ =	shalt  }
0x5d: {  	_ =	shalt  }
0x5e: {  	_ =	shalt  }
0x5f: {  	_ =	shalt  }
0x60: {  	_ =	shalt  }
0x61: {  	_ =	shalt  }
0x62: {  	_ =	shalt  }
0x63: {  	_ =	shalt  }
0x64: {  	_ =	shalt  }
0x65: {  	_ =	shalt  }
0x66: {  	_ =	shalt  }
0x67: {  	_ =	shalt  }
0x68: {  	_ =	shalt  }
0x69: {  	_ =	shalt  }
0x6a: {  	_ =	shalt  }
0x6b: {  	_ =	shalt  }
0x6c: {  	_ =	shalt  }
0x6d: {  	_ =	shalt  }
0x6e: {  	_ =	shalt  }
0x6f: {  	_ =	shalt  }
0x70: {  	_ =	shalt  }
0x71: {  	_ =	shalt  }
0x72: {  	_ =	shalt  }
0x73: {  	_ =	shalt  }
0x74: {  	_ =	shalt  }
0x75: {  	_ =	shalt  }
0x76: {  	_ =	shalt  }
0x77: {  	_ =	shalt  }
0x78: {  	_ =	shalt  }
0x79: {  	_ =	shalt  }
0x7a: {  	_ =	shalt  }
0x7b: {  	_ =	shalt  }
0x7c: {  	_ =	shalt  }
0x7d: {  	_ =	shalt  }
0x7e: {  	_ =	shalt  }
0x7f: {  	_ =	shalt  }
0x80: {  	_ =	shalt  }
0x81: {  	_ =	shalt  }
0x82: {  	_ =	shalt  }
0x83: {  	_ =	shalt  }
0x84: {  	_ =	shalt  }
0x85: {  	_ =	shalt  }
0x86: {  	_ =	shalt  }
0x87: {  	_ =	shalt  }
.Lfunc_end0:
.L_simem_size_0:
called_computation_lowered:
.L_overlay_start_0:
0x88: {  	s2 =	sld [smem:$0x3FD9]  }
0x89: {  	s3 =	sld [smem:$0x3FFE];
	_ =	sdelay $0x1  }
0x8a: {  	s1 =	srdreg.scid  }
0x8b: {  	s0 =	sand.u32 $0x1, s1  }
0x8c: {  	s17 =	sshll.u32 s0, $0xA;
	s2 =	sadd.s32 s3, s2  }
0x8d: {  	s2 =	sadd.s32 s2, s17  }
0x8e: {  	[smem:$0x3FBF] =	sst s2  }
0x8f: {  	_ = 	snop  }
0x90: {  	s2 =	sld [smem:$0x3FD0];
	(tm) =	ssettm $0x1  }
0x91: {  	s18 =	sld [smem:$0x3FFB];
	_ =	sdelay $0x3  }
0x92: {  	_ =	strace s18  }
0x93: {  	s3 =	sld [smem:$0x3FFC];
	_ =	sdelay $0x3  }
0x94: {  	_ =	strace s3  }
0x95: {  	s3 =	sld [smem:$0x3FFD];
	_ =	sdelay $0x3  }
0x96: {  	_ =	strace s3  }
0x97: {  	_ =	strace $0x8FFFFFFF  }
0x98: {  	s19 =	sld [smem:$0x3FDB];
	_ =	sdelay $0x1  }
0x99: {  	s4 =	simm.s32 $_scs_section_size  }
0x9a: {  	s5 =	simm.s32 $_size__tile_overlayer_lowered;
	s6 =	simm.s32 $_tile_overlayer_lowered  }
0x9b: {  	s22 =	simm.s32 $0x1BFF;
	s21 =	sshll.u32 s6, $0x1;
	s3 =	sadd.s32 s4, s19  }
0x9c: {  	s7 =	simm.s32 $0x0;
	s20 =	sshll.u32 s5, $0x1;
	s5 =	sadd.s32 s21, s3  }
0x9d: {  	[timem:s7], [sflag:s22] =	dma.local [hbm:s5], s20  }
0x9e: {  	_ =	swait.ge [sflag:s22], s20  }
0x9f: {  	s4 =	ssub.s32 $0x0, s20;
	[sflag:s22] =	ssyncset.done $0x0  }
0xa0: {  	[sflag:s22] =	ssyncadd.s32 s4;
	_ =	sdelay $0x1  }
0xa1: {  	s23 =	simm.s32 $0x1B8B  }
0xa2: {  	_ =	swait.ge [sflag:s23], $0x1  }
0xa3: {  	[sflag:s23] =	ssyncset.done $0x0  }
0xa4: {  	s25 =	simm.s32 $0x1B8E;
	s24 =	sld [smem:$0x3FFE];
	[sflag:s23] =	ssyncadd.s32 $0xFFFFFFFF  }
0xa5: {  	s26 =	simm.s32 $execute0_lowered;
	[smem:$0x3FD2] =	sst s25  }
0xa6: {  	s5 =	sshll.u32 s26, $0x1;
	_ =	strace $0x80000046;
	[dreg:$0x1] =	wrdreg $0xFFFFFFFF  }
0xa7: {  	s28 =	simm.s32 $_size_execute0_lowered;
	s3 =	sadd.s32 s3, s5;
	[dreg:$0x0] =	wrdreg $0x0  }
0xa8: {  	s5 =	sshll.u32 s28, $0x1;
	[dreg:$0x2] =	wrdreg s3  }
0xa9: {  	[dreg:$0x3] =	wrdreg s5  }
0xaa: {  	[dreg:$0x4] =	wrdreg $0xC0  }
0xab: {  	_ =	task [dreg:s7], $0x5FFFF  }
0xac: {  	[dreg:$0x1] =	wrdreg $0xFFFFFFFF  }
0xad: {  	[dreg:$0x0] =	wrdreg $0x60  }
0xae: {  	[dreg:$0x2] =	wrdreg s24  }
0xaf: {  	[dreg:$0x3] =	wrdreg s2  }
0xb0: {  	[dreg:$0x4] =	wrdreg $0x0  }
0xb1: {  	[dreg:$0x5] =	wrdreg $0x9  }
0xb2: {  	_ =	task.clear_ibuf [dreg:s7], $0x6FFFF;
	_ =	strace $0x90000046  }
0xb3: {  	s29 =	simm.s32 $0x9;
	_ =	strace $0x80000048  }
0xb4: {  	_ =	swait.ge [sflag:s29], $0x1  }
0xb5: {  	[sflag:s29] =	ssyncadd.s32 $0xFFFFFFFF  }
0xb6: {  	_ =	strace $0x90000048  }
0xb7: {  	_ =	sfence  }
0xb8: {  	s30 =	sld [smem:$0x0];
	_ =	sdelay $0x2  }
0xb9: {  	s31 =	sshll.u32 s1, $0xD;
	s1 =	sshrl.u32 s1, $0x2  }
0xba: {  	s3 =	sand.u32 $0x4000, s31;
	s1 =	sadd.s32 s1, s30  }
0xbb: {  	s0 =	sor.u32 s3, s0;
	s1 =	sshll.u32 s1, $0x11  }
0xbc: {  	s0 =	sor.u32 s1, s0  }
0xbd: {  	s0 =	sadd.s32 $0x8F2B, s0  }
0xbe: {  	[sflag:s0] =	ssyncadd.remote.s32 $0x1  }
0xbf: {  	_ =	sfence.sel $0xFFFF  }
0xc0: {  	[dreg:$0x0] =	wrdreg $0xFFFFFFFF;
	(pc) =	sbr.abs _section_cstart, $3  }
0xc1: {  	[dreg:$0x1] =	wrdreg $0xFFFFFFFF  }
0xc2: {  	_ =	task.clear_ibuf [dreg:s7], $0x2FFFF;
	_ =	strace $0x9FFFFFFF  }
0xc3: {  	(tm) =	ssettm $0x7FFFFFFF  }
tec
execute0_lowered:
.L_overlay_start_1:
0x0: {  	(tag) =	ssettag $0x1  }
0x1: {  	s0 =	rddreg [dreg:$0x0]  }
0x2: {  	s2 =	rddreg [dreg:$0x1]  }
0x3: {  	s3 =	rddreg [dreg:$0x2];
	s1 =	srdreg.scid  }
0x4: {  	s12 =	stileid.u32;
	s4 =	simm.s32 $0x0;
	s28 =	simm.s32 $0x9  }
0x5: {  	s29 =	simm.s32 $0x40;
	s30 =	simm.s32 $0x13A00;
	s8 =	smul.u32 $0x278, s12  }
0x6: {  	s1 =	sand.u32 $0x1, s1;
	[smem:$0x7FF] =	sst s4;
	s20 =	smul.u32 $0x4E800, s12  }
0x7: {  	s5 =	sadd.s32 $0x1000, s0;
	s6 =	sadd.s32 $0x9CEE00, s0;
	s7 =	smul.u32 $0x2710, s1  }
0x8: {  	_ =	strace $0x80000047;
	s11 =	ssub.s32 $0x2, s1;
	s1 =	sshll.u32 s1, $0x1  }
0x9: {  	s9 =	smin.u32 s8, $0x2498;
	s24 =	sshrl.u32 s11, $0x1;
	s8 =	smin.u32 s8, $0x24B8  }
0xa: {  	s15 =	sadd.s32 $0xFFFFFFFF, s1;
	s10 =	sadd.s32 s7, s9;
	s25 =	sshll.u32 s8, $0x7  }
0xb: {  	s7 =	sadd.s32 $0x4E3000, s0;
	s8 =	smul.u32 $0x4E80, s12;
	s13 =	sadd.s32 s25, s3  }
0xc: {  	s10 =	sshll.u32 s10, $0x4;
	s26 =	sadd.s32 $0x2000, s13;
	[dreg:$0x4] =	wrdreg s13  }
0xd: {  	s0 =	sadd.s32 s10, s0;
	s31 =	sadd.s32 $0x4000, s13;
	[dreg:$0x5] =	wrdreg s26  }
0xe: {  	s10 =	ssub.s32 s11, s24;
	s11 =	sadd.s32 $0x6000, s13;
	[dreg:$0x6] =	wrdreg s31  }
0xf: {  	s12 =	simm.s32 $0x7;
	s14 =	sadd.s32 $0x8000, s13;
	[dreg:$0x7] =	wrdreg s11  }
0x10: {  	v0 =	vmov s15;
	s15 =	simm.s32 $0x13C00;
	s16 =	sadd.s32 $0xA000, s13;
	[dreg:$0x8] =	wrdreg s14  }
0x11: {  	s25 =	sshll.u32 s9, $0x7;
	s17 =	sadd.s32 $0xC000, s13;
	[dreg:$0x9] =	wrdreg s16  }
0x12: {  	s18 =	sadd.s32 $0xE000, s13;
	s19 =	sshrl.u32 s8, $0x3;
	[dreg:$0xa] =	wrdreg s17  }
0x13: {  	s21 =	sadd.s32 $0x10000, s13;
	s22 =	sadd.s32 $0x12000, s13;
	[dreg:$0xb] =	wrdreg s18  }
0x14: {  	s24 =	sadd.s32 s6, s20;
	s13 =	simm.s32 $0x2;
	[dreg:$0xc] =	wrdreg s21  }
0x15: {  	s20 =	simm.s32 $0x13D00;
	[dreg:$0xd] =	wrdreg s22;
	s23 =	sadd.s32 s7, s19  }
0x16: {  	s1 =	sadd.s32 s2, s19;
	[dreg:$0x10] =	wrdreg s24;
	s0 =	sadd.s32 $0x4F200, s0  }
0x17: {  	s26 =	smax.u32 s10, $0x1;
	s10 =	simm.s32 $0x15D80;
	s11 =	simm.s32 $0x5  }
0x18: {  	s14 =	simm.s32 $0x4;
	s16 =	simm.s32 $0x19D80;
	[dreg:$0xe] =	wrdreg s23  }
0x19: {  	s17 =	simm.s32 $0x13C80;
	s18 =	simm.s32 $0x6;
	[dreg:$0xf] =	wrdreg s1  }
0x1a: {  	s19 =	simm.s32 $0x8;
	s1 =	sadd.s32 s25, s3;
	[dreg:$0x11] =	wrdreg s0  }
0x1b: {  	v3 =	vlaneseq.u32;
	[dreg:$0x12] =	wrdreg s26;
	s25 =	sadd.s32 $0x80, s8;
	s31 =	sshrl.u32 s1, $0x3  }
0x1c: {  	v1 =	vimm.f32 $0.0e+00;
	v2 =	vor.u32 $0x2710, v3;
	v3 =	vor.u32 $0x2720, v3;
	s26 =	simm.s32 $0x13D80;
	s1 =	simm.s32 $0x13B00;
	[dreg:$0x13] =	wrdreg s31  }
.LBB2_1:
0x1d: {  	s9 =	simm.s32 $0x0;
	s21 =	simm.s32 $0x200  }
.LBB2_2:
0x1e: {  	p0 =	sne.s32 s21, $0x7E00;
	[tilespmem:s9+$0x13DF0] =	vst v1  }
0x1f: {  	[tilespmem:s9+$0x13D80] =	vst v1  }
0x20: {  	[tilespmem:s9+$0x13D90] =	vst v1  }
.Ltmp0:
0x21: {  	[tilespmem:s9+$0x13DA0] =	vst v1;
	(pc) =	sbr.rel @p0 .LBB2_2-.Ltmp0, $4  }
0x22: {  	[tilespmem:s9+$0x13DB0] =	vst v1  }
0x23: {  	[tilespmem:s9+$0x13DC0] =	vst v1  }
0x24: {  	[tilespmem:s9+$0x13DD0] =	vst v1  }
0x25: {  	[tilespmem:s9+$0x13DE0] =	vst v1;
	s9 =	sshra.s32 s21, $0x2;
	s21 =	sadd.s32 $0x200, s21  }
0x26: {  	[tilespmem:s9+$0x13DF0] =	vst v1  }
0x27: {  	[tilespmem:s9+$0x13D80] =	vst v1  }
0x28: {  	[tilespmem:s9+$0x13D90] =	vst v1  }
0x29: {  	[tilespmem:s9+$0x13DA0] =	vst v1  }
0x2a: {  	[tilespmem:s9+$0x13DB0] =	vst v1  }
0x2b: {  	[tilespmem:s9+$0x13DC0] =	vst v1  }
0x2c: {  	[tilespmem:s9+$0x13DD0] =	vst v1  }
0x2d: {  	[tilespmem:s9+$0x13DE0] =	vst v1;
	s0 =	rddreg [dreg:$0x4]  }
0x2e: {  	[spmem:s0] =	stream.linear.scatter [tilespmem:s26], [sflag:$0x9], $0x2000, $0x38;
	[tilespmem:$0x1BD80] =	vst v63  }
0x2f: {  	_ =	swait.ge [sflag:s28], $0x2000  }
0x30: {  	[sflag:s28] =	ssyncset.done $0x0  }
0x31: {  	s31 =	rddreg [dreg:$0x5];
	[sflag:s28] =	ssyncadd.s32 $0xFFFFE000  }
0x32: {  	[spmem:s31] =	stream.linear.scatter [tilespmem:s26], [sflag:$0x9], $0x2000, $0x38;
	[tilespmem:$0x1BD80] =	vst v63  }
0x33: {  	_ =	swait.ge [sflag:s28], $0x2000  }
0x34: {  	[sflag:s28] =	ssyncset.done $0x0  }
0x35: {  	s9 =	rddreg [dreg:$0x6];
	[sflag:s28] =	ssyncadd.s32 $0xFFFFE000  }
0x36: {  	[spmem:s9] =	stream.linear.scatter [tilespmem:s26], [sflag:$0x9], $0x2000, $0x38;
	[tilespmem:$0x1BD80] =	vst v63  }
0x37: {  	_ =	swait.ge [sflag:s28], $0x2000  }
0x38: {  	[sflag:s28] =	ssyncset.done $0x0  }
0x39: {  	s21 =	rddreg [dreg:$0x7];
	[sflag:s28] =	ssyncadd.s32 $0xFFFFE000  }
0x3a: {  	[spmem:s21] =	stream.linear.scatter [tilespmem:s26], [sflag:$0x9], $0x2000, $0x38;
	[tilespmem:$0x1BD80] =	vst v63  }
0x3b: {  	_ =	swait.ge [sflag:s28], $0x2000  }
0x3c: {  	[sflag:s28] =	ssyncset.done $0x0  }
0x3d: {  	s22 =	rddreg [dreg:$0x8];
	[sflag:s28] =	ssyncadd.s32 $0xFFFFE000  }
0x3e: {  	[spmem:s22] =	stream.linear.scatter [tilespmem:s26], [sflag:$0x9], $0x2000, $0x38;
	[tilespmem:$0x1BD80] =	vst v63  }
0x3f: {  	_ =	swait.ge [sflag:s28], $0x2000  }
0x40: {  	[sflag:s28] =	ssyncset.done $0x0  }
0x41: {  	s23 =	rddreg [dreg:$0x9];
	[sflag:s28] =	ssyncadd.s32 $0xFFFFE000  }
0x42: {  	[spmem:s23] =	stream.linear.scatter [tilespmem:s26], [sflag:$0x9], $0x2000, $0x38;
	[tilespmem:$0x1BD80] =	vst v63  }
0x43: {  	_ =	swait.ge [sflag:s28], $0x2000  }
0x44: {  	[sflag:s28] =	ssyncset.done $0x0  }
0x45: {  	s24 =	rddreg [dreg:$0xa];
	[sflag:s28] =	ssyncadd.s32 $0xFFFFE000  }
0x46: {  	[spmem:s24] =	stream.linear.scatter [tilespmem:s26], [sflag:$0x9], $0x2000, $0x38;
	[tilespmem:$0x1BD80] =	vst v63  }
0x47: {  	_ =	swait.ge [sflag:s28], $0x2000  }
0x48: {  	[sflag:s28] =	ssyncset.done $0x0  }
0x49: {  	s31 =	rddreg [dreg:$0xb];
	[sflag:s28] =	ssyncadd.s32 $0xFFFFE000  }
0x4a: {  	[spmem:s31] =	stream.linear.scatter [tilespmem:s26], [sflag:$0x9], $0x2000, $0x38;
	[tilespmem:$0x1BD80] =	vst v63  }
0x4b: {  	_ =	swait.ge [sflag:s28], $0x2000  }
0x4c: {  	[sflag:s28] =	ssyncset.done $0x0  }
0x4d: {  	s9 =	rddreg [dreg:$0xc];
	[sflag:s28] =	ssyncadd.s32 $0xFFFFE000  }
0x4e: {  	[spmem:s9] =	stream.linear.scatter [tilespmem:s26], [sflag:$0x9], $0x2000, $0x38;
	[tilespmem:$0x1BD80] =	vst v63  }
0x4f: {  	_ =	swait.ge [sflag:s28], $0x2000  }
0x50: {  	[sflag:s28] =	ssyncset.done $0x0  }
0x51: {  	s21 =	rddreg [dreg:$0xd];
	[sflag:s28] =	ssyncadd.s32 $0xFFFFE000  }
0x52: {  	[spmem:s21] =	stream.linear.scatter [tilespmem:s26], [sflag:$0x9], $0x1C00, $0x38;
	[tilespmem:$0x1BD80] =	vst v63  }
0x53: {  	_ =	swait.ge [sflag:s28], $0x1C00  }
0x54: {  	[sflag:s28] =	ssyncset.done $0x0  }
0x55: {  	[sflag:s28] =	ssyncadd.s32 $0xFFFFE400  }
0x56: {  	[bflag:$0x0] =	sbarrier.arrive $0xFFFF  }
0x57: {  	s23 =	simm.s32 $0x13980;
	s21 =	simm.s32 $0x0;
	s22 =	rddreg [dreg:$0xe]  }
0x58: {  	[tilespmem:s23], [sflag:$0x1] =	stream.linear.gather [hbm4b:s22+s21], $0x40, $0x38;
	[tilespmem:$0x1BD80] =	vst v63  }
0x59: {  	s31 =	simm.s32 $0x13A80;
	s24 =	rddreg [dreg:$0xf]  }
0x5a: {  	[tilespmem:s31], [sflag:$0x3] =	stream.linear.gather [hbm4b:s24+s21], $0x40, $0x38;
	[tilespmem:$0x1BD80] =	vst v63  }
0x5b: {  	s9 =	rddreg [dreg:$0x10];
	s22 =	simm.s32 $0x1  }
0x5c: {  	[tilespmem:s26], [sflag:$0x5] =	stream.linear.gather [hbm4b:s9+s21], $0x2000, $0x38;
	[tilespmem:$0x1BD80] =	vst v63  }
0x5d: {  	_ =	swait.ge [sflag:s22], $0x40  }
0x5e: {  	[sflag:s22] =	ssyncset.done $0x0  }
0x5f: {  	s23 =	simm.s32 $0x3;
	[sflag:s22] =	ssyncadd.s32 $0xFFFFFFC0  }
0x60: {  	_ =	swait.ge [sflag:s23], $0x40  }
0x61: {  	[sflag:s23] =	ssyncset.done $0x0  }
0x62: {  	[sflag:s23] =	ssyncadd.s32 $0xFFFFFFC0  }
0x63: {  	v4 =	vld [tilespmem:$0x13980]  }
0x64: {  	v5 =	vld [tilespmem:$0x13A80]  }
0x65: {  	v6 =	vld [tilespmem:$0x13990]  }
0x66: {  	v7 =	vld [tilespmem:$0x13A90]  }
0x67: {  	v8 =	vld [tilespmem:$0x139A0]  }
0x68: {  	v10 =	vld [tilespmem:$0x13AA0];
	_ =	sdelay $0x1  }
0x69: {  	v11 =	vld [tilespmem:$0x139B0];
	v9 =	vsub.s32 v5, v4  }
0x6a: {  	v13 =	vld [tilespmem:$0x13AB0];
	vm0 =	vgt.s32 v5, v4;
	v12 =	vsub.s32 v7, v6;
	v59 =	vadd.s32 $0x2710, v5  }
0x6b: {  	vm10 =	vgt.s32 v7, v6;
	v9 =	vmul.u32 v0, v9;
	v5 =	vsel vm0, v59, v5  }
0x6c: {  	v60 =	vsub.s32 v10, v8;
	v12 =	vmul.u32 v0, v12;
	[tilespmem:$0x13B80] =	vst v5;
	v5 =	vadd.s32 $0x2710, v7  }
0x6d: {  	vm12 =	vgt.s32 v10, v8;
	vm1 =	vgt.s32 v9, $0x0;
	v5 =	vsel vm10, v5, v7  }
0x6e: {  	v61 =	vmul.u32 v0, v60;
	vm11 =	vgt.s32 v12, $0x0;
	v4 =	vsel vm1, v4, v2;
	[tilespmem:$0x13B90] =	vst v5  }
0x6f: {  	v62 =	vsub.s32 v13, v11;
	v5 =	vadd.s32 $0x2710, v10;
	[tilespmem:$0x13C80] =	vst v4;
	v4 =	vsel vm11, v6, v3  }
0x70: {  	vm13 =	vgt.s32 v61, $0x0;
	[tilespmem:$0x13C90] =	vst v4;
	v4 =	vsel vm12, v5, v10;
	v5 =	vmul.u32 v0, v62  }
0x71: {  	vm14 =	vgt.s32 v13, v11;
	v63 =	vadd.s32 $0x2710, v13;
	[tilespmem:$0x13BA0] =	vst v4;
	v4 =	vsel vm13, v8, v2  }
0x72: {  	[tilespmem:$0x13CA0] =	vst v4;
	v4 =	vsel vm14, v63, v13;
	vm15 =	vgt.s32 v5, $0x0  }
0x73: {  	[tilespmem:$0x13BB0] =	vst v4;
	v4 =	vsel vm15, v11, v3  }
0x74: {  	s24 =	simm.s32 $0x13B80;
	s31 =	simm.s32 $0x17D80;
	s22 =	simm.s32 $0x0;
	[tilespmem:$0x13CB0] =	vst v4  }
0x75: {  	[tilespmem:s31], [sflag:$0x7] =	stream.indirect.gather [hbm4b:s5+s29], $0x80, s24, s29, $0xb8;
	[tilespmem:$0x1BD80] =	vst v63  }
.LBB2_4:
0x76: {  	s23 =	sshll.u32 s22, $0x7  }
0x77: {  	s9 =	sadd.s32 s23, s8  }
0x78: {  	s9 =	sadd.s32 $0x40, s9  }
0x79: {  	s24 =	sshrl.u32 s9, $0x3  }
0x7a: {  	s31 =	sadd.s32 s7, s24  }
0x7b: {  	[tilespmem:s30], [sflag:$0x2] =	stream.linear.gather [hbm4b:s31+s21], $0x40, $0x38;
	[tilespmem:$0x1BD80] =	vst v63  }
0x7c: {  	s9 =	sshll.u32 s9, $0x4;
	s24 =	sadd.s32 s2, s24  }
0x7d: {  	[tilespmem:s1], [sflag:$0x4] =	stream.linear.gather [hbm4b:s24+s21], $0x40, $0x38;
	[tilespmem:$0x1BD80] =	vst v63  }
0x7e: {  	s9 =	sadd.s32 s6, s9  }
0x7f: {  	[tilespmem:s10], [sflag:$0x6] =	stream.linear.gather [hbm4b:s9+s21], $0x2000, $0x38;
	[tilespmem:$0x1BD80] =	vst v63  }
0x80: {  	_ =	swait.ge [sflag:s11], $0x2000  }
0x81: {  	[sflag:s11] =	ssyncset.done $0x0  }
0x82: {  	[sflag:s11] =	ssyncadd.s32 $0xFFFFE000  }
0x83: {  	_ =	swait.ge [sflag:s12], $0x2000  }
0x84: {  	[sflag:s12] =	ssyncset.done $0x0  }
0x85: {  	s24 =	simm.s32 $0x0;
	[sflag:s12] =	ssyncadd.s32 $0xFFFFE000  }
0x86: {  	v10 =	vld [tilespmem:s24+$0x17D80]  }
0x87: {  	v15 =	vld [tilespmem:s24+$0x17D90]  }
0x88: {  	v9 =	vld [tilespmem:s24+$0x17DA0]  }
0x89: {  	v8 =	vld [tilespmem:s24+$0x17DB0]  }
0x8a: {  	v7 =	vld [tilespmem:s24+$0x17DC0]  }
0x8b: {  	v6 =	vld [tilespmem:s24+$0x17DD0]  }
0x8c: {  	v5 =	vld [tilespmem:s24+$0x17DE0]  }
0x8d: {  	v4 =	vld [tilespmem:s24+$0x17DF0]  }
0x8e: {  	v16 =	vld [tilespmem:s24+$0x13D80]  }
0x8f: {  	v17 =	vld [tilespmem:s24+$0x13D90]  }
0x90: {  	v14 =	vld [tilespmem:s24+$0x13DA0]  }
0x91: {  	v13 =	vld [tilespmem:s24+$0x13DB0]  }
0x92: {  	v12 =	vld [tilespmem:s24+$0x13DC0]  }
0x93: {  	v11 =	vld [tilespmem:s24+$0x13DD0];
	v16 =	vadd.f32 v10, v16  }
0x94: {  	s9 =	simm.s32 $0x200;
	v15 =	vadd.f32 v15, v17;
	v10 =	vld [tilespmem:s24+$0x13DE0]  }
.LBB2_5:
0x95: {  	s31 =	sshra.s32 s9, $0x2;
	p0 =	sne.s32 s9, $0x7E00;
	v16 =	vmax.f32 v16, $0.0e+00;
	v9 =	vadd.f32 v9, v14;
	v14 =	vld [tilespmem:s24+$0x13DF0]  }
0x96: {  	v17 =	vld [tilespmem:s31+$0x17D80];
	[tilespmem:s24+$0x13D80] =	vst v16;
	v15 =	vmax.f32 v15, $0.0e+00;
	v8 =	vadd.f32 v8, v13  }
0x97: {  	v18 =	vld [tilespmem:s31+$0x17D90];
	[tilespmem:s24+$0x13D90] =	vst v15;
	v13 =	vmax.f32 v9, $0.0e+00;
	v7 =	vadd.f32 v7, v12  }
0x98: {  	v9 =	vld [tilespmem:s31+$0x17DA0];
	[tilespmem:s24+$0x13DA0] =	vst v13;
	v12 =	vmax.f32 v8, $0.0e+00;
	v6 =	vadd.f32 v6, v11  }
0x99: {  	v8 =	vld [tilespmem:s31+$0x17DB0];
	[tilespmem:s24+$0x13DB0] =	vst v12;
	v11 =	vmax.f32 v7, $0.0e+00;
	v5 =	vadd.f32 v5, v10  }
0x9a: {  	v7 =	vld [tilespmem:s31+$0x17DC0];
	[tilespmem:s24+$0x13DC0] =	vst v11;
	v10 =	vmax.f32 v6, $0.0e+00;
	v4 =	vadd.f32 v4, v14  }
0x9b: {  	v6 =	vld [tilespmem:s31+$0x17DD0];
	[tilespmem:s24+$0x13DD0] =	vst v10;
	v10 =	vmax.f32 v5, $0.0e+00  }
0x9c: {  	v5 =	vld [tilespmem:s31+$0x17DE0];
	[tilespmem:s24+$0x13DE0] =	vst v10;
	v10 =	vmax.f32 v4, $0.0e+00  }
0x9d: {  	v4 =	vld [tilespmem:s31+$0x17DF0];
	[tilespmem:s24+$0x13DF0] =	vst v10;
	s24 =	smov.u32 s31  }
0x9e: {  	v10 =	vld [tilespmem:s24+$0x13D80]  }
0x9f: {  	v15 =	vld [tilespmem:s24+$0x13D90]  }
.Ltmp1:
0xa0: {  	v14 =	vld [tilespmem:s24+$0x13DA0];
	(pc) =	sbr.rel @p0 .LBB2_5-.Ltmp1, $4  }
0xa1: {  	v13 =	vld [tilespmem:s24+$0x13DB0]  }
0xa2: {  	v12 =	vld [tilespmem:s24+$0x13DC0]  }
0xa3: {  	v16 =	vadd.f32 v17, v10;
	v11 =	vld [tilespmem:s24+$0x13DD0]  }
0xa4: {  	s9 =	sadd.s32 $0x200, s9;
	v15 =	vadd.f32 v18, v15;
	v10 =	vld [tilespmem:s24+$0x13DE0]  }
0xa5: {  	v16 =	vmax.f32 v16, $0.0e+00;
	v9 =	vadd.f32 v9, v14;
	v14 =	vld [tilespmem:s24+$0x13DF0]  }
0xa6: {  	[tilespmem:s24+$0x13D80] =	vst v16;
	v15 =	vmax.f32 v15, $0.0e+00;
	v8 =	vadd.f32 v8, v13  }
0xa7: {  	[tilespmem:s24+$0x13D90] =	vst v15;
	v9 =	vmax.f32 v9, $0.0e+00;
	v7 =	vadd.f32 v7, v12  }
0xa8: {  	[tilespmem:s24+$0x13DA0] =	vst v9;
	v8 =	vmax.f32 v8, $0.0e+00;
	v6 =	vadd.f32 v6, v11  }
0xa9: {  	[tilespmem:s24+$0x13DB0] =	vst v8;
	v7 =	vmax.f32 v7, $0.0e+00;
	v5 =	vadd.f32 v5, v10  }
0xaa: {  	[tilespmem:s24+$0x13DC0] =	vst v7;
	v6 =	vmax.f32 v6, $0.0e+00;
	v4 =	vadd.f32 v4, v14  }
0xab: {  	[tilespmem:s24+$0x13DD0] =	vst v6;
	v5 =	vmax.f32 v5, $0.0e+00  }
0xac: {  	[tilespmem:s24+$0x13DE0] =	vst v5;
	v4 =	vmax.f32 v4, $0.0e+00  }
0xad: {  	[tilespmem:s24+$0x13DF0] =	vst v4  }
0xae: {  	_ =	swait.ge [sflag:s13], $0x40  }
0xaf: {  	[sflag:s13] =	ssyncset.done $0x0  }
0xb0: {  	[sflag:s13] =	ssyncadd.s32 $0xFFFFFFC0  }
0xb1: {  	_ =	swait.ge [sflag:s14], $0x40  }
0xb2: {  	[sflag:s14] =	ssyncset.done $0x0  }
0xb3: {  	[sflag:s14] =	ssyncadd.s32 $0xFFFFFFC0  }
0xb4: {  	v4 =	vld [tilespmem:$0x13A00]  }
0xb5: {  	v5 =	vld [tilespmem:$0x13B00]  }
0xb6: {  	v6 =	vld [tilespmem:$0x13A10]  }
0xb7: {  	v7 =	vld [tilespmem:$0x13B10];
	_ =	sdelay $0x1  }
0xb8: {  	v8 =	vld [tilespmem:$0x13A20]  }
0xb9: {  	v10 =	vld [tilespmem:$0x13B20];
	v9 =	vsub.s32 v5, v4  }
0xba: {  	v11 =	vld [tilespmem:$0x13A30];
	v9 =	vmul.u32 v0, v9  }
0xbb: {  	v13 =	vld [tilespmem:$0x13B30];
	vm0 =	vgt.s32 v5, v4;
	v12 =	vsub.s32 v7, v6;
	v14 =	vadd.s32 $0x2710, v5  }
0xbc: {  	v5 =	vsel vm0, v14, v5;
	vm1 =	vgt.s32 v9, $0x0;
	v9 =	vmul.u32 v0, v12  }
0xbd: {  	vm10 =	vgt.s32 v7, v6;
	[tilespmem:$0x13C00] =	vst v5;
	v5 =	vadd.s32 $0x2710, v7  }
0xbe: {  	v4 =	vsel vm1, v4, v2;
	vm11 =	vgt.s32 v9, $0x0;
	v9 =	vsub.s32 v10, v8  }
0xbf: {  	v5 =	vsel vm10, v5, v7;
	[tilespmem:$0x13D00] =	vst v4;
	v4 =	vsel vm11, v6, v3;
	v6 =	vmul.u32 v0, v9  }
0xc0: {  	vm12 =	vgt.s32 v10, v8;
	v7 =	vsub.s32 v13, v11;
	[tilespmem:$0x13C10] =	vst v5;
	v5 =	vadd.s32 $0x2710, v10  }
0xc1: {  	[tilespmem:$0x13D10] =	vst v4;
	v4 =	vsel vm12, v5, v10;
	v5 =	vmul.u32 v0, v7;
	vm13 =	vgt.s32 v6, $0x0  }
0xc2: {  	vm14 =	vgt.s32 v13, v11;
	[tilespmem:$0x13C20] =	vst v4;
	v6 =	vadd.s32 $0x2710, v13;
	v4 =	vsel vm13, v8, v2  }
0xc3: {  	vm15 =	vgt.s32 v5, $0x0;
	[tilespmem:$0x13D20] =	vst v4;
	v4 =	vsel vm14, v6, v13  }
0xc4: {  	[tilespmem:$0x13C30] =	vst v4;
	v4 =	vsel vm15, v11, v3  }
0xc5: {  	[tilespmem:$0x13D30] =	vst v4  }
0xc6: {  	[tilespmem:s16], [sflag:$0x8] =	stream.indirect.gather [hbm4b:s5+s29], $0x80, s15, s29, $0xb8;
	[tilespmem:$0x1BD80] =	vst v63  }
0xc7: {  	p0 =	seq.s32 s22, $0x9C  }
0xc8: {  	[spmem:s3] =	stream.indirect.scatter.add.f32 [tilespmem:s26], [sflag:$0x9], $0x80, s17, s29, $0xb8;
	[tilespmem:$0x1BD80] =	vst v63  }
0xc9: {  	s9 =	sadd.s32 @!p0 s23, s25;
	_ =	swait.ge [sflag:s28], $0x2000  }
0xca: {  	s31 =	simm.s32 @!p0 $0x0;
	s23 =	sshrl.u32 @!p0 s9, $0x3;
	[sflag:s28] =	ssyncset.done $0x0  }
0xcb: {  	s0 =	simm.s32 @!p0 $0x13980;
	s24 =	sadd.s32 @!p0 s7, s23;
	[sflag:s28] =	ssyncadd.s32 $0xFFFFE000  }
0xcc: {  	[tilespmem:s0], [sflag:$0x1] =	stream.linear.gather @!p0 [hbm4b:s24+s31], $0x40, $0x38;
	[tilespmem:$0x1BD80] =	vst v63  }
0xcd: {  	s0 =	sadd.s32 @!p0 s2, s23;
	s23 =	simm.s32 @!p0 $0x13A80  }
0xce: {  	[tilespmem:s23], [sflag:$0x3] =	stream.linear.gather @!p0 [hbm4b:s0+s31], $0x40, $0x38;
	[tilespmem:$0x1BD80] =	vst v63  }
0xcf: {  	s0 =	sshll.u32 @!p0 s9, $0x4  }
0xd0: {  	s9 =	simm.s32 @!p0 $0x13D80;
	s0 =	sadd.s32 @!p0 s6, s0  }
0xd1: {  	[tilespmem:s9], [sflag:$0x5] =	stream.linear.gather @!p0 [hbm4b:s0+s31], $0x2000, $0x38;
	[tilespmem:$0x1BD80] =	vst v63  }
0xd2: {  	_ =	swait.ge [sflag:s18], $0x2000  }
0xd3: {  	[sflag:s18] =	ssyncset.done $0x0  }
0xd4: {  	[sflag:s18] =	ssyncadd.s32 $0xFFFFE000  }
0xd5: {  	_ =	swait.ge [sflag:s19], $0x2000  }
0xd6: {  	[sflag:s19] =	ssyncset.done $0x0  }
0xd7: {  	s23 =	simm.s32 $0x0;
	[sflag:s19] =	ssyncadd.s32 $0xFFFFE000  }
0xd8: {  	v10 =	vld [tilespmem:s23+$0x19D80]  }
0xd9: {  	v15 =	vld [tilespmem:s23+$0x19D90]  }
0xda: {  	v9 =	vld [tilespmem:s23+$0x19DA0]  }
0xdb: {  	v8 =	vld [tilespmem:s23+$0x19DB0]  }
0xdc: {  	v7 =	vld [tilespmem:s23+$0x19DC0]  }
0xdd: {  	v6 =	vld [tilespmem:s23+$0x19DD0]  }
0xde: {  	v5 =	vld [tilespmem:s23+$0x19DE0]  }
0xdf: {  	v4 =	vld [tilespmem:s23+$0x19DF0]  }
0xe0: {  	v16 =	vld [tilespmem:s23+$0x15D80]  }
0xe1: {  	v17 =	vld [tilespmem:s23+$0x15D90]  }
0xe2: {  	v14 =	vld [tilespmem:s23+$0x15DA0]  }
0xe3: {  	v13 =	vld [tilespmem:s23+$0x15DB0]  }
0xe4: {  	v12 =	vld [tilespmem:s23+$0x15DC0]  }
0xe5: {  	v11 =	vld [tilespmem:s23+$0x15DD0];
	v16 =	vadd.f32 v10, v16  }
0xe6: {  	s9 =	simm.s32 $0x200;
	v15 =	vadd.f32 v15, v17;
	v10 =	vld [tilespmem:s23+$0x15DE0]  }
.LBB2_7:
0xe7: {  	s0 =	sshra.s32 s9, $0x2;
	p1 =	sne.s32 s9, $0x7E00;
	v16 =	vmax.f32 v16, $0.0e+00;
	v9 =	vadd.f32 v9, v14;
	v14 =	vld [tilespmem:s23+$0x15DF0]  }
0xe8: {  	v17 =	vld [tilespmem:s0+$0x19D80];
	[tilespmem:s23+$0x15D80] =	vst v16;
	v15 =	vmax.f32 v15, $0.0e+00;
	v8 =	vadd.f32 v8, v13  }
0xe9: {  	v18 =	vld [tilespmem:s0+$0x19D90];
	[tilespmem:s23+$0x15D90] =	vst v15;
	v13 =	vmax.f32 v9, $0.0e+00;
	v7 =	vadd.f32 v7, v12  }
0xea: {  	v9 =	vld [tilespmem:s0+$0x19DA0];
	[tilespmem:s23+$0x15DA0] =	vst v13;
	v12 =	vmax.f32 v8, $0.0e+00;
	v6 =	vadd.f32 v6, v11  }
0xeb: {  	v8 =	vld [tilespmem:s0+$0x19DB0];
	[tilespmem:s23+$0x15DB0] =	vst v12;
	v11 =	vmax.f32 v7, $0.0e+00;
	v5 =	vadd.f32 v5, v10  }
0xec: {  	v7 =	vld [tilespmem:s0+$0x19DC0];
	[tilespmem:s23+$0x15DC0] =	vst v11;
	v10 =	vmax.f32 v6, $0.0e+00;
	v4 =	vadd.f32 v4, v14  }
0xed: {  	v6 =	vld [tilespmem:s0+$0x19DD0];
	[tilespmem:s23+$0x15DD0] =	vst v10;
	v10 =	vmax.f32 v5, $0.0e+00  }
0xee: {  	v5 =	vld [tilespmem:s0+$0x19DE0];
	[tilespmem:s23+$0x15DE0] =	vst v10;
	v10 =	vmax.f32 v4, $0.0e+00  }
0xef: {  	v4 =	vld [tilespmem:s0+$0x19DF0];
	[tilespmem:s23+$0x15DF0] =	vst v10;
	s23 =	smov.u32 s0  }
0xf0: {  	v10 =	vld [tilespmem:s23+$0x15D80]  }
0xf1: {  	v15 =	vld [tilespmem:s23+$0x15D90]  }
.Ltmp2:
0xf2: {  	v14 =	vld [tilespmem:s23+$0x15DA0];
	(pc) =	sbr.rel @p1 .LBB2_7-.Ltmp2, $4  }
0xf3: {  	v13 =	vld [tilespmem:s23+$0x15DB0]  }
0xf4: {  	v12 =	vld [tilespmem:s23+$0x15DC0]  }
0xf5: {  	v16 =	vadd.f32 v17, v10;
	v11 =	vld [tilespmem:s23+$0x15DD0]  }
0xf6: {  	s9 =	sadd.s32 $0x200, s9;
	v15 =	vadd.f32 v18, v15;
	v10 =	vld [tilespmem:s23+$0x15DE0]  }
0xf7: {  	v16 =	vmax.f32 v16, $0.0e+00;
	v9 =	vadd.f32 v9, v14;
	v63 =	vld [tilespmem:s23+$0x15DF0]  }
0xf8: {  	[tilespmem:s23+$0x15D80] =	vst v16;
	v15 =	vmax.f32 v15, $0.0e+00;
	v8 =	vadd.f32 v8, v13  }
0xf9: {  	[tilespmem:s23+$0x15D90] =	vst v15;
	v9 =	vmax.f32 v9, $0.0e+00;
	v7 =	vadd.f32 v7, v12  }
0xfa: {  	[tilespmem:s23+$0x15DA0] =	vst v9;
	v8 =	vmax.f32 v8, $0.0e+00;
	v6 =	vadd.f32 v6, v11  }
0xfb: {  	[tilespmem:s23+$0x15DB0] =	vst v8;
	v7 =	vmax.f32 v7, $0.0e+00;
	v5 =	vadd.f32 v5, v10  }
0xfc: {  	[tilespmem:s23+$0x15DC0] =	vst v7;
	v6 =	vmax.f32 v6, $0.0e+00;
	v4 =	vadd.f32 v4, v63  }
0xfd: {  	[tilespmem:s23+$0x15DD0] =	vst v6;
	v5 =	vmax.f32 v5, $0.0e+00  }
0xfe: {  	[tilespmem:s23+$0x15DE0] =	vst v5;
	v4 =	vmax.f32 v4, $0.0e+00  }
0xff: {  	s0 =	simm.s32 @!p0 $0x1;
	[tilespmem:s23+$0x15DF0] =	vst v4  }
0x100: {  	_ =	swait.ge @!p0 [sflag:s0], $0x40  }
0x101: {  	[sflag:s0] =	ssyncset.done @!p0 $0x0  }
0x102: {  	[sflag:s0] =	ssyncadd.s32 @!p0 $0xFFFFFFC0;
	s0 =	simm.s32 @!p0 $0x3  }
0x103: {  	_ =	swait.ge @!p0 [sflag:s0], $0x40  }
0x104: {  	[sflag:s0] =	ssyncset.done @!p0 $0x0  }
0x105: {  	[sflag:s0] =	ssyncadd.s32 @!p0 $0xFFFFFFC0  }
0x106: {  	v4 =	vld @!p0 [tilespmem:$0x13980]  }
0x107: {  	v5 =	vld @!p0 [tilespmem:$0x13A80]  }
0x108: {  	v6 =	vld @!p0 [tilespmem:$0x13990]  }
0x109: {  	v7 =	vld @!p0 [tilespmem:$0x13A90];
	_ =	sdelay $0x2  }
0x10a: {  	v8 =	vld @!p0 [tilespmem:$0x139A0]  }
0x10b: {  	v10 =	vld @!p0 [tilespmem:$0x13AA0];
	v9 =	vsub.s32 @!p0 v5, v4;
	vm0 =	vgt.s32 @!p0 v5, v4  }
0x10c: {  	v12 =	vld @!p0 [tilespmem:$0x139B0];
	v11 =	vadd.s32 @!p0 $0x2710, v5;
	v13 =	vsub.s32 @!p0 v7, v6;
	v9 =	vmul.u32 @!p0 v0, v9  }
0x10d: {  	v14 =	vld @!p0 [tilespmem:$0x13AB0];
	v5 =	vsel @!p0 vm0, v11, v5;
	v11 =	vlaneseq.u32 @!p0;
	v13 =	vmul.u32 @!p0 v0, v13  }
0x10e: {  	v15 =	vadd.s32 @!p0 $0x2710, v7;
	[tilespmem:$0x13B80] =	vst @!p0 v5;
	v5 =	vor.u32 @!p0 $0x2720, v11  }
0x10f: {  	vm0 =	vgt.s32 @!p0 v9, $0x0;
	v9 =	vor.u32 @!p0 $0x2710, v11;
	vm1 =	vgt.s32 @!p0 v13, $0x0  }
0x110: {  	v11 =	vsub.s32 @!p0 v10, v8;
	v4 =	vsel @!p0 vm0, v4, v9;
	vm0 =	vgt.s32 @!p0 v7, v6  }
0x111: {  	v7 =	vsel @!p0 vm0, v15, v7;
	[tilespmem:$0x13C80] =	vst @!p0 v4;
	v4 =	vsel @!p0 vm1, v6, v5;
	v6 =	vmul.u32 @!p0 v0, v11  }
0x112: {  	vm0 =	vgt.s32 @!p0 v10, v8;
	v11 =	vsub.s32 @!p0 v14, v12;
	[tilespmem:$0x13B90] =	vst @!p0 v7;
	v7 =	vadd.s32 @!p0 $0x2710, v10  }
0x113: {  	[tilespmem:$0x13C90] =	vst @!p0 v4;
	v4 =	vsel @!p0 vm0, v7, v10;
	vm0 =	vgt.s32 @!p0 v6, $0x0;
	v6 =	vmul.u32 @!p0 v0, v11  }
0x114: {  	v7 =	vadd.s32 @!p0 $0x2710, v14;
	[tilespmem:$0x13BA0] =	vst @!p0 v4;
	v4 =	vsel @!p0 vm0, v8, v9;
	vm0 =	vgt.s32 @!p0 v14, v12  }
0x115: {  	[tilespmem:$0x13CA0] =	vst @!p0 v4;
	v4 =	vsel @!p0 vm0, v7, v14;
	vm0 =	vgt.s32 @!p0 v6, $0x0  }
0x116: {  	s9 =	simm.s32 @!p0 $0x13B80;
	[tilespmem:$0x13BB0] =	vst @!p0 v4;
	v4 =	vsel @!p0 vm0, v12, v5  }
0x117: {  	s22 =	sadd.s32 $0x1, s22;
	s23 =	simm.s32 @!p0 $0x17D80;
	s0 =	simm.s32 @!p0 $0x40;
	[tilespmem:$0x13CB0] =	vst @!p0 v4  }
0x118: {  	[tilespmem:s23], [sflag:$0x7] =	stream.indirect.gather @!p0 [hbm4b:s5+s0], $0x80, s9, s0, $0xb8;
	[tilespmem:$0x1BD80] =	vst v63  }
0x119: {  	p0 =	sne.s32 s22, $0x9D  }
.Ltmp3:
0x11a: {  	_ = 	snop;
	(pc) =	sbr.rel @p0 .LBB2_4-.Ltmp3, $4  }
0x11b: {  	[spmem:s3] =	stream.indirect.scatter.add.f32 [tilespmem:s10], [sflag:$0x9], $0x80, s20, s29, $0xb8;
	[tilespmem:$0x1BD80] =	vst v63  }
0x11c: {  	_ =	swait.ge [sflag:s28], $0x2000  }
0x11d: {  	[sflag:s28] =	ssyncset.done $0x0  }
0x11e: {  	[sflag:s28] =	ssyncadd.s32 $0xFFFFE000  }
0x11f: {  	s0 =	stileid.u32;
	[bflag:$0x0] =	sbarrier.arrive $0xFFFF  }
0x120: {  	s0 =	sshll.u32 s0, $0x6;
	s9 =	rddreg [dreg:$0x11]  }
0x121: {  	s21 =	rddreg [dreg:$0x13];
	s0 =	sor.u32 $0x1C09, s0  }
0x122: {  	[hbm:s9], [sflag:s0] =	dma.local [spmem:s21], $0x2780  }
0x123: {  	_ =	swait.ge [sflag:s28], $0x2780  }
0x124: {  	s4 =	sadd.s32 $0x1, s4;
	s31 =	rddreg [dreg:$0x12]  }
0x125: {  	p0 =	sne.s32 s4, s31  }
.Ltmp4:
0x126: {  	_ = 	snop;
	(pc) =	sbr.rel @p0 .LBB2_1-.Ltmp4, $3  }
0x127: {  	_ =	sdelay $0x1  }
0x128: {  	[sflag:s28] =	ssyncset.done $0x0  }
0x129: {  	[sflag:s28] =	ssyncadd.s32 $0xFFFFD880  }
0x12a: {  	_ =	sfence.sel $0x180000  }
0x12b: {  	[bflag:$0x0] =	sbarrier.arrive $0xFFFF  }
0x12c: {  	_ =	strace $0x90000047  }
0x12d: {  	s0 =	stileid.u32;
	[bflag:$0x2] =	sbarrier.arrive $0xFFFF  }
0x12e: {  	p0 =	sne.s32 s0, $0x0;
	s0 =	rddreg [dreg:$0x3]  }
0x12f: {  	s0 =	sadd.s32 @!p0 $0x100000, s0  }
0x130: {  	[sflag:s0] =	ssyncadd.tile.s32 @!p0 $0x1;
	_ =	shalt  }
.Lfunc_end2:
_tile_overlayer_lowered:
.L_overlay_start_2:
0x131: {  	(tag) =	ssettag $0x2  }
0x132: {  	s0 =	rddreg [dreg:$0x0];
	s2 =	stileid.u32  }
0x133: {  	s1 =	rddreg [dreg:$0x1];
	p0 =	sne.s32 s2, $0x0  }
0x134: {  	s3 =	rddreg [dreg:$0x2];
	[bflag:$0x3] =	sbarrier.arrive $0xFFFF;
	s2 =	simm.s32 @!p0 $0x1C09  }
0x135: {  	[timem:s3], [sflag:s2] =	dma.local @!p0 [hbm:s0], s1  }
0x136: {  	s0 =	simm.s32 @!p0 $0x9  }
0x137: {  	_ =	swait.ge @!p0 [sflag:s0], s1  }
0x138: {  	s1 =	ssub.s32 @!p0 $0x0, s1;
	[sflag:s0] =	ssyncset.done @!p0 $0x0  }
0x139: {  	[sflag:s0] =	ssyncadd.s32 @!p0 s1  }
0x13a: {  	[bflag:$0x3] =	sbarrier.arrive $0xFFFF  }
0x13b: {  	_ =	shalt  }

</sc_bundles>
